<compile_context>
chip_gen: v7x
topology: tpu7x:2x2x1
jax: 0.10.2.dev20260603
libtpu: 0.0.44.dev20260713+nightly
codegen_flags: <defaults>
</compile_context>

<pallas_src>
import functools

import jax
import jax.numpy as jnp
from jax import lax
from jax.experimental import pallas as pl
from jax.experimental.pallas import tpu as pltpu
from jax.experimental.pallas import tpu_sc as plsc

NC = 2
NS = 16
NW = NC * NS

C = 80
RPT = 624


def _sc_aggregate(x, src_r, dst_r):
    n, d = x.shape
    k_chunks = src_r.shape[0] // (NW * C)
    extra = n - NS * RPT

    mesh = plsc.VectorSubcoreMesh(
        core_axis_name="c", subcore_axis_name="s",
        num_cores=NC, num_subcores=NS)

    @functools.partial(
        pl.kernel,
        out_type=(
            jax.ShapeDtypeStruct((NC, n, d), jnp.float32),
            jax.ShapeDtypeStruct((NW, 1, 10240), jnp.float32),
        ),
        mesh=mesh,
        compiler_params=pltpu.CompilerParams(needs_layout_passes=False),
        scratch_types=[
            pltpu.VMEM((C,), jnp.int32),
            pltpu.VMEM((C,), jnp.int32),
            pltpu.VMEM((C,), jnp.int32),
            pltpu.VMEM((C,), jnp.int32),
            pltpu.VMEM((C, d), jnp.float32),
            pltpu.VMEM((C, d), jnp.float32),
            pltpu.VMEM((10240,), jnp.float32),
            pltpu.VMEM_SHARED((n, d), jnp.float32),
            pltpu.SemaphoreType.DMA,
            pltpu.SemaphoreType.DMA,
            pltpu.SemaphoreType.DMA,
            pltpu.SemaphoreType.DMA,
        ],
    )
    def agg(x_hbm, src_hbm, dst_hbm, out_feat, out_deg,
            sidx0, didx0, sidx1, didx1, rows0, rows1,
            degh, acc_sh, sem, sem1, sem2, sem3):
        c = lax.axis_index("c")
        s = lax.axis_index("s")
        wid = s * NC + c

        zero16 = jnp.zeros((16,), jnp.float32)
        one16 = jnp.ones((16,), jnp.float32)
        iota16 = lax.iota(jnp.int32, 16)
        base = s * RPT
        ebase = wid * (k_chunks * C)

        def load_idx(kk, si, di):
            off = ebase + kk * C
            pltpu.async_copy(src_hbm.at[pl.ds(off, C)], si, sem2)
            pltpu.async_copy(dst_hbm.at[pl.ds(off, C)], di, sem3)
            pltpu.make_async_copy(src_hbm.at[pl.ds(off, C)], si, sem2).wait()
            pltpu.make_async_copy(dst_hbm.at[pl.ds(off, C)], di, sem3).wait()

        def hist(di):
            for j in range(C // 16):
                v = di[pl.ds(j * 16, 16)]
                plsc.addupdate_scatter(degh, [v], one16)

        def fill_batch_idx(si, q):
            for j in range(C // 16):
                si[pl.ds(j * 16, 16)] = base + q * C + j * 16 + iota16

        def zero_degh(r, carry):
            degh[pl.ds(r * 16, 16)] = zero16
            return carry

        lax.fori_loop(0, 640, zero_degh, 0)

        def zero_rows0(r, carry):
            for j in range(d // 16):
                rows0[r, pl.ds(j * 16, 16)] = zero16
            return carry

        lax.fori_loop(0, C, zero_rows0, 0)
        for q in range(8):
            fill_batch_idx(sidx0, q)
            pltpu.sync_copy(rows0, acc_sh.at[sidx0])
        plsc.subcore_barrier()

        load_idx(0, sidx0, didx0)
        pltpu.async_copy(x_hbm.at[sidx0], rows0, sem)
        hist(didx0)

        def feat_body(p, carry):
            kb = 2 * p + 1
            load_idx(kb, sidx1, didx1)
            pltpu.async_copy(x_hbm.at[sidx1], rows1, sem1)
            hist(didx1)
            pltpu.make_async_copy(x_hbm.at[sidx0], rows0, sem).wait()
            pltpu.sync_copy(rows0, acc_sh.at[didx0], add=True)
            load_idx(kb + 1, sidx0, didx0)
            pltpu.async_copy(x_hbm.at[sidx0], rows0, sem)
            hist(didx0)
            pltpu.make_async_copy(x_hbm.at[sidx1], rows1, sem1).wait()
            pltpu.sync_copy(rows1, acc_sh.at[didx1], add=True)
            return carry

        lax.fori_loop(0, (k_chunks - 1) // 2, feat_body, 0)
        pltpu.make_async_copy(x_hbm.at[sidx0], rows0, sem).wait()
        pltpu.sync_copy(rows0, acc_sh.at[didx0], add=True)
        pltpu.sync_copy(degh, out_deg.at[wid, 0])
        plsc.subcore_barrier()

        fill_batch_idx(sidx0, 0)
        pltpu.async_copy(acc_sh.at[sidx0], rows0, sem)
        for q in range(8):
            buf, sidx, sm = ((rows0, sidx0, sem) if q % 2 == 0
                             else (rows1, sidx1, sem1))
            if q < 7:
                nbuf, nsidx, nsm = ((rows0, sidx0, sem) if q % 2 == 1
                                    else (rows1, sidx1, sem1))
                fill_batch_idx(nsidx, q + 1)
                pltpu.async_copy(acc_sh.at[nsidx], nbuf, nsm)
            pltpu.make_async_copy(acc_sh.at[sidx], buf, sm).wait()
            pltpu.sync_copy(buf, out_feat.at[c, pl.ds(base + q * C, C), :])

    return agg(x, src_r, dst_r)


def _tc_lstm(x, wih_t, whh_t, b, acc, degp):
    n, d = x.shape
    h = d // 2
    rows = 1000
    grid = n // rows

    def body(x_ref, acc_ref, deg_ref, wih_ref, whh_ref, b_ref, out_ref):
        ft = (acc_ref[0] + acc_ref[1]) / jnp.maximum(deg_ref[...], 1.0)
        g_t = ft[:, :h]
        r_t = ft[:, h:]
        gates = jnp.dot(x_ref[...], wih_ref[...],
                        preferred_element_type=jnp.float32)
        gates += jnp.dot(g_t, whh_ref[...],
                         preferred_element_type=jnp.float32)
        gates += b_ref[...]
        i_g = jax.nn.sigmoid(gates[:, :h])
        f_g = jax.nn.sigmoid(gates[:, h:2 * h])
        g_g = jnp.tanh(gates[:, 2 * h:3 * h])
        o_g = jax.nn.sigmoid(gates[:, 3 * h:])
        c2 = f_g * r_t + i_g * g_g
        h2 = o_g * jnp.tanh(c2)
        out_ref[...] = jnp.concatenate([h2, c2], axis=1)

    return pl.pallas_call(
        body,
        grid=(grid,),
        in_specs=[
            pl.BlockSpec((rows, d), lambda i: (i, 0)),
            pl.BlockSpec((NC, rows, d), lambda i: (0, i, 0)),
            pl.BlockSpec((rows, 1), lambda i: (i, 0)),
            pl.BlockSpec((d, 4 * h), lambda i: (0, 0)),
            pl.BlockSpec((h, 4 * h), lambda i: (0, 0)),
            pl.BlockSpec((1, 4 * h), lambda i: (0, 0)),
        ],
        out_specs=pl.BlockSpec((rows, d), lambda i: (i, 0)),
        out_shape=jax.ShapeDtypeStruct((n, d), jnp.float32),
    )(x, acc, degp, wih_t, whh_t, b)


def kernel(x, edge_index, W_ih, W_hh, b_ih, b_hh):
    n, d = x.shape
    acc, degpacked = _sc_aggregate(x, edge_index[0], edge_index[1])
    deg = degpacked.reshape(NW, 10240)[:, :n].sum(axis=0)[:, None]
    b = (b_ih + b_hh).reshape(1, 2 * d)
    return _tc_lstm(x, W_ih.T, W_hh.T, b, acc, deg)

# --- scband reference (transcript-rebuilt; emitter-appended) ---
"""Pipeline reference for scband-lstm-conv-21655225106656 (READ-ONLY COPY).

The authoritative reference and input builder live on the scoring server;
editing this copy changes nothing except your own understanding.
"""

import jax, jax.numpy as jnp
import numpy as np

N = 10000
E = 320000
D = 128  # hidden_dim (lstm_input_dim)
H = D // 2  # message_dim


def setup_inputs(seed: int = 0) -> dict:
    key = jax.random.key(seed)
    ks = jax.random.split(key, 6)
    x = jax.random.normal(ks[0], (N, D), dtype=jnp.float32)
    edge_index = jax.random.randint(ks[1], (2, E), 0, N, dtype=jnp.int32)
    s = 1.0 / np.sqrt(H)
    W_ih = jax.random.uniform(ks[2], (4 * H, D), minval=-s, maxval=s, dtype=jnp.float32)
    W_hh = jax.random.uniform(ks[3], (4 * H, H), minval=-s, maxval=s, dtype=jnp.float32)
    b_ih = jax.random.uniform(ks[4], (4 * H,), minval=-s, maxval=s, dtype=jnp.float32)
    b_hh = jax.random.uniform(ks[5], (4 * H,), minval=-s, maxval=s, dtype=jnp.float32)
    return {"x": x, "edge_index": edge_index, "W_ih": W_ih, "W_hh": W_hh, "b_ih": b_ih, "b_hh": b_hh}


def reference(x, edge_index, W_ih, W_hh, b_ih, b_hh):
    # DGL: copy_u('h','m') + mean('m','ft')  ->  gather source feats, mean-reduce by dst
    src = edge_index[0]
    dst = edge_index[1]
    m = jnp.take(x, src, axis=0)                                   # [E, D] gather
    summed = jax.ops.segment_sum(m, dst, num_segments=N)           # [N, D] scatter-add
    deg = jax.ops.segment_sum(jnp.ones((E,), dtype=x.dtype), dst, num_segments=N)
    ft = summed / jnp.maximum(deg, 1.0)[:, None]                   # zero-in-degree nodes stay 0
    # split mean-aggregated message into LSTM (h, c) state
    G_t = ft[:, :H]
    R_t = ft[:, H:]
    # PyTorch LSTMCell: gates order i, f, g, o
    gates = x @ W_ih.T + b_ih + G_t @ W_hh.T + b_hh
    i, f, g, o = jnp.split(gates, 4, axis=1)
    i = jax.nn.sigmoid(i)
    f = jax.nn.sigmoid(f)
    g = jnp.tanh(g)
    o = jax.nn.sigmoid(o)
    c2 = f * R_t + i * g
    h2 = o * jnp.tanh(c2)
    return jnp.concatenate([h2, c2], axis=1)                       # [N, D]

if __name__ == "__main__":
    import jax
    _d = setup_inputs()
    print(jax.jit(kernel)(*tuple(_d.values())))

</pallas_src>

<mosaic_0001>
#map = affine_map<(d0, d1) -> (0, 0)>
#map1 = affine_map<(d0, d1) -> (0)>
#map2 = affine_map<(d0, d1) -> (0, 0, 0)>
module attributes {stable_mosaic.version = 14 : i64} {
  func.func @agg(%arg0: i32, %arg1: i32, %arg2: memref<10000x128xf32, #tpu.memory_space<hbm>>, %arg3: memref<320000xi32, #tpu.memory_space<hbm>>, %arg4: memref<320000xi32, #tpu.memory_space<hbm>>, %arg5: memref<2x10000x128xf32, #tpu.memory_space<hbm>>, %arg6: memref<32x1x10240xf32, #tpu.memory_space<hbm>>, %arg7: memref<80xi32, #tpu.memory_space<vmem>>, %arg8: memref<80xi32, #tpu.memory_space<vmem>>, %arg9: memref<80xi32, #tpu.memory_space<vmem>>, %arg10: memref<80xi32, #tpu.memory_space<vmem>>, %arg11: memref<80x128xf32, #tpu.memory_space<vmem>>, %arg12: memref<80x128xf32, #tpu.memory_space<vmem>>, %arg13: memref<10240xf32, #tpu.memory_space<vmem>>, %arg14: memref<10000x128xf32, #tpu.memory_space<vmem_shared>>, %arg15: memref<!tpu.dma_semaphore, #tpu.memory_space<semaphore_mem>>, %arg16: memref<!tpu.dma_semaphore, #tpu.memory_space<semaphore_mem>>, %arg17: memref<!tpu.dma_semaphore, #tpu.memory_space<semaphore_mem>>, %arg18: memref<!tpu.dma_semaphore, #tpu.memory_space<semaphore_mem>>) attributes {dimension_semantics = [#tpu.dimension_semantics<core_parallel>, #tpu.dimension_semantics<subcore_parallel>], iteration_bounds = array<i64: 2, 16>, scalar_prefetch = 0 : i64, scratch_operands = 12 : i64, tpu.core_type = #tpu.core_type<sc_vector_subcore>, window_params = [{transform_indices = #map}, {transform_indices = #map1}, {transform_indices = #map1}, {transform_indices = #map2}, {transform_indices = #map2}]} {
    %mul3A = arith.constant 2 : i32
    %mul3A_0 = arith.muli %arg1, %mul3A : i32
    %add3A = arith.addi %mul3A_0, %arg0 : i32
    %broadcast_in_dim3A = arith.constant 0.000000e+00 : f32
    %broadcast_in_dim3A_1 = vector.broadcast %broadcast_in_dim3A : f32 to vector<16xf32>
    %broadcast_in_dim3A_2 = arith.constant 1.000000e+00 : f32
    %broadcast_in_dim3A_3 = vector.broadcast %broadcast_in_dim3A_2 : f32 to vector<16xf32>
    %iota3A = tpu.iota {dimensions = array<i32: 0>} : vector<16xi32>
    %mul3A_4 = arith.constant 624 : i32
    %mul3A_5 = arith.muli %arg1, %mul3A_4 : i32
    %mul3A_6 = arith.constant 10000 : i32
    %mul3A_7 = arith.muli %add3A, %mul3A_6 : i32
    %scan3A = arith.constant 0 : i32
    %scan3A_8 = arith.constant 0 : i32
    %scan3A_9 = arith.constant 640 : i32
    %scan3A_10 = arith.addi %scan3A_8, %scan3A_9 : i32
    %scan3A_11 = arith.constant 1 : i32
    scf.for %scan3A_752 = %scan3A_8 to %scan3A_10 step %scan3A_11  : i32 {
      %mul3A_753 = arith.constant 16 : i32
      %mul3A_754 = arith.muli %scan3A_752, %mul3A_753 : i32
      %swap3A_755 = arith.index_cast %mul3A_754 : i32 to index
      %swap3A_756 = tpu.vector_load %arg13[%swap3A_755] {strides = array<i32>} : memref<10240xf32, #tpu.memory_space<vmem>>, vector<16xf32>,
      tpu.vector_store %arg13[%swap3A_755], %broadcast_in_dim3A_1 {strides = array<i32>} : memref<10240xf32, #tpu.memory_space<vmem>>, vector<16xf32>,
    }
    %scan3A_12 = arith.constant 640 : i32
    %scan3A_13 = arith.constant 0 : i32
    %scan3A_14 = arith.constant 0 : i32
    %scan3A_15 = arith.constant 80 : i32
    %scan3A_16 = arith.addi %scan3A_14, %scan3A_15 : i32
    %scan3A_17 = arith.constant 1 : i32
    scf.for %scan3A_752 = %scan3A_14 to %scan3A_16 step %scan3A_17  : i32 {
      %swap3A_753 = arith.index_cast %scan3A_752 : i32 to index
      %swap3A_754 = arith.constant 0 : index
      %swap3A_755 = tpu.vector_load %arg11[%swap3A_753, %swap3A_754] {strides = array<i32>} : memref<80x128xf32, #tpu.memory_space<vmem>>, vector<16xf32>,
      tpu.vector_store %arg11[%swap3A_753, %swap3A_754], %broadcast_in_dim3A_1 {strides = array<i32>} : memref<80x128xf32, #tpu.memory_space<vmem>>, vector<16xf32>,
      %swap3A_756 = arith.index_cast %scan3A_752 : i32 to index
      %swap3A_757 = arith.constant 16 : index
      %swap3A_758 = tpu.vector_load %arg11[%swap3A_756, %swap3A_757] {strides = array<i32>} : memref<80x128xf32, #tpu.memory_space<vmem>>, vector<16xf32>,
      tpu.vector_store %arg11[%swap3A_756, %swap3A_757], %broadcast_in_dim3A_1 {strides = array<i32>} : memref<80x128xf32, #tpu.memory_space<vmem>>, vector<16xf32>,
      %swap3A_759 = arith.index_cast %scan3A_752 : i32 to index
      %swap3A_760 = arith.constant 32 : index
      %swap3A_761 = tpu.vector_load %arg11[%swap3A_759, %swap3A_760] {strides = array<i32>} : memref<80x128xf32, #tpu.memory_space<vmem>>, vector<16xf32>,
      tpu.vector_store %arg11[%swap3A_759, %swap3A_760], %broadcast_in_dim3A_1 {strides = array<i32>} : memref<80x128xf32, #tpu.memory_space<vmem>>, vector<16xf32>,
      %swap3A_762 = arith.index_cast %scan3A_752 : i32 to index
      %swap3A_763 = arith.constant 48 : index
      %swap3A_764 = tpu.vector_load %arg11[%swap3A_762, %swap3A_763] {strides = array<i32>} : memref<80x128xf32, #tpu.memory_space<vmem>>, vector<16xf32>,
      tpu.vector_store %arg11[%swap3A_762, %swap3A_763], %broadcast_in_dim3A_1 {strides = array<i32>} : memref<80x128xf32, #tpu.memory_space<vmem>>, vector<16xf32>,
      %swap3A_765 = arith.index_cast %scan3A_752 : i32 to index
      %swap3A_766 = arith.constant 64 : index
      %swap3A_767 = tpu.vector_load %arg11[%swap3A_765, %swap3A_766] {strides = array<i32>} : memref<80x128xf32, #tpu.memory_space<vmem>>, vector<16xf32>,
      tpu.vector_store %arg11[%swap3A_765, %swap3A_766], %broadcast_in_dim3A_1 {strides = array<i32>} : memref<80x128xf32, #tpu.memory_space<vmem>>, vector<16xf32>,
      %swap3A_768 = arith.index_cast %scan3A_752 : i32 to index
      %swap3A_769 = arith.constant 80 : index
      %swap3A_770 = tpu.vector_load %arg11[%swap3A_768, %swap3A_769] {strides = array<i32>} : memref<80x128xf32, #tpu.memory_space<vmem>>, vector<16xf32>,
      tpu.vector_store %arg11[%swap3A_768, %swap3A_769], %broadcast_in_dim3A_1 {strides = array<i32>} : memref<80x128xf32, #tpu.memory_space<vmem>>, vector<16xf32>,
      %swap3A_771 = arith.index_cast %scan3A_752 : i32 to index
      %swap3A_772 = arith.constant 96 : index
      %swap3A_773 = tpu.vector_load %arg11[%swap3A_771, %swap3A_772] {strides = array<i32>} : memref<80x128xf32, #tpu.memory_space<vmem>>, vector<16xf32>,
      tpu.vector_store %arg11[%swap3A_771, %swap3A_772], %broadcast_in_dim3A_1 {strides = array<i32>} : memref<80x128xf32, #tpu.memory_space<vmem>>, vector<16xf32>,
      %swap3A_774 = arith.index_cast %scan3A_752 : i32 to index
      %swap3A_775 = arith.constant 112 : index
      %swap3A_776 = tpu.vector_load %arg11[%swap3A_774, %swap3A_775] {strides = array<i32>} : memref<80x128xf32, #tpu.memory_space<vmem>>, vector<16xf32>,
      tpu.vector_store %arg11[%swap3A_774, %swap3A_775], %broadcast_in_dim3A_1 {strides = array<i32>} : memref<80x128xf32, #tpu.memory_space<vmem>>, vector<16xf32>,
    }
    %scan3A_18 = arith.constant 80 : i32
    %add3A_19 = arith.constant 0 : i32
    %add3A_20 = arith.addi %mul3A_5, %add3A_19 : i32
    %add3A_21 = arith.constant 0 : i32
    %add3A_22 = arith.addi %add3A_20, %add3A_21 : i32
    %add3A_23 = vector.broadcast %add3A_22 : i32 to vector<16xi32>
    %add3A_24 = arith.addi %add3A_23, %iota3A : vector<16xi32>
    %swap3A = arith.constant 0 : index
    %swap3A_25 = tpu.vector_load %arg7[%swap3A] {strides = array<i32>} : memref<80xi32, #tpu.memory_space<vmem>>, vector<16xi32>,
    tpu.vector_store %arg7[%swap3A], %add3A_24 {strides = array<i32>} : memref<80xi32, #tpu.memory_space<vmem>>, vector<16xi32>,
    %add3A_26 = arith.constant 0 : i32
    %add3A_27 = arith.addi %mul3A_5, %add3A_26 : i32
    %add3A_28 = arith.constant 16 : i32
    %add3A_29 = arith.addi %add3A_27, %add3A_28 : i32
    %add3A_30 = vector.broadcast %add3A_29 : i32 to vector<16xi32>
    %add3A_31 = arith.addi %add3A_30, %iota3A : vector<16xi32>
    %swap3A_32 = arith.constant 16 : index
    %swap3A_33 = tpu.vector_load %arg7[%swap3A_32] {strides = array<i32>} : memref<80xi32, #tpu.memory_space<vmem>>, vector<16xi32>,
    tpu.vector_store %arg7[%swap3A_32], %add3A_31 {strides = array<i32>} : memref<80xi32, #tpu.memory_space<vmem>>, vector<16xi32>,
    %add3A_34 = arith.constant 0 : i32
    %add3A_35 = arith.addi %mul3A_5, %add3A_34 : i32
    %add3A_36 = arith.constant 32 : i32
    %add3A_37 = arith.addi %add3A_35, %add3A_36 : i32
    %add3A_38 = vector.broadcast %add3A_37 : i32 to vector<16xi32>
    %add3A_39 = arith.addi %add3A_38, %iota3A : vector<16xi32>
    %swap3A_40 = arith.constant 32 : index
    %swap3A_41 = tpu.vector_load %arg7[%swap3A_40] {strides = array<i32>} : memref<80xi32, #tpu.memory_space<vmem>>, vector<16xi32>,
    tpu.vector_store %arg7[%swap3A_40], %add3A_39 {strides = array<i32>} : memref<80xi32, #tpu.memory_space<vmem>>, vector<16xi32>,
    %add3A_42 = arith.constant 0 : i32
    %add3A_43 = arith.addi %mul3A_5, %add3A_42 : i32
    %add3A_44 = arith.constant 48 : i32
    %add3A_45 = arith.addi %add3A_43, %add3A_44 : i32
    %add3A_46 = vector.broadcast %add3A_45 : i32 to vector<16xi32>
    %add3A_47 = arith.addi %add3A_46, %iota3A : vector<16xi32>
    %swap3A_48 = arith.constant 48 : index
    %swap3A_49 = tpu.vector_load %arg7[%swap3A_48] {strides = array<i32>} : memref<80xi32, #tpu.memory_space<vmem>>, vector<16xi32>,
    tpu.vector_store %arg7[%swap3A_48], %add3A_47 {strides = array<i32>} : memref<80xi32, #tpu.memory_space<vmem>>, vector<16xi32>,
    %add3A_50 = arith.constant 0 : i32
    %add3A_51 = arith.addi %mul3A_5, %add3A_50 : i32
    %add3A_52 = arith.constant 64 : i32
    %add3A_53 = arith.addi %add3A_51, %add3A_52 : i32
    %add3A_54 = vector.broadcast %add3A_53 : i32 to vector<16xi32>
    %add3A_55 = arith.addi %add3A_54, %iota3A : vector<16xi32>
    %swap3A_56 = arith.constant 64 : index
    %swap3A_57 = tpu.vector_load %arg7[%swap3A_56] {strides = array<i32>} : memref<80xi32, #tpu.memory_space<vmem>>, vector<16xi32>,
    tpu.vector_store %arg7[%swap3A_56], %add3A_55 {strides = array<i32>} : memref<80xi32, #tpu.memory_space<vmem>>, vector<16xi32>,
    "tpu.region"() ({
      %run_scoped3A_752 = tpu.sem_alloc : memref<!tpu.dma_semaphore, #tpu.memory_space<semaphore_mem>>
      %dma_start3A_753 = arith.constant 0 : i32
      %dma_start3A_754 = arith.constant 0 : i32
      %dma_start3A_755 = tpu.memref_slice %arg14[%dma_start3A_753, %dma_start3A_754] : memref<10000x128xf32, #tpu.memory_space<vmem_shared>> -> memref<10000x128xf32, #tpu.memory_space<vmem_shared>>
      tpu.enqueue_indirect_dma source(%arg11 : memref<80x128xf32, #tpu.memory_space<vmem>>) target(%dma_start3A_755 : memref<10000x128xf32, #tpu.memory_space<vmem_shared>>) offsets(%arg7 : memref<80xi32, #tpu.memory_space<vmem>>) semaphore(%run_scoped3A_752 : memref<!tpu.dma_semaphore, #tpu.memory_space<semaphore_mem>>)
      %dma_wait3A_756 = arith.constant 0 : i32
      %dma_wait3A_757 = arith.constant 0 : i32
      %dma_wait3A_758 = tpu.memref_slice %arg14[%dma_wait3A_756, %dma_wait3A_757] : memref<10000x128xf32, #tpu.memory_space<vmem_shared>> -> memref<10000x128xf32, #tpu.memory_space<vmem_shared>>
      tpu.wait_indirect_dma semaphore(%run_scoped3A_752 : memref<!tpu.dma_semaphore, #tpu.memory_space<semaphore_mem>>) src(%arg11 : memref<80x128xf32, #tpu.memory_space<vmem>>) dst(%dma_wait3A_758 : memref<10000x128xf32, #tpu.memory_space<vmem_shared>>)
      tpu.yield
    }) : () -> ()
    %add3A_58 = arith.constant 80 : i32
    %add3A_59 = arith.addi %mul3A_5, %add3A_58 : i32
    %add3A_60 = arith.constant 0 : i32
    %add3A_61 = arith.addi %add3A_59, %add3A_60 : i32
    %add3A_62 = vector.broadcast %add3A_61 : i32 to vector<16xi32>
    %add3A_63 = arith.addi %add3A_62, %iota3A : vector<16xi32>
    %swap3A_64 = arith.constant 0 : index
    %swap3A_65 = tpu.vector_load %arg7[%swap3A_64] {strides = array<i32>} : memref<80xi32, #tpu.memory_space<vmem>>, vector<16xi32>,
    tpu.vector_store %arg7[%swap3A_64], %add3A_63 {strides = array<i32>} : memref<80xi32, #tpu.memory_space<vmem>>, vector<16xi32>,
    %add3A_66 = arith.constant 80 : i32
    %add3A_67 = arith.addi %mul3A_5, %add3A_66 : i32
    %add3A_68 = arith.constant 16 : i32
    %add3A_69 = arith.addi %add3A_67, %add3A_68 : i32
    %add3A_70 = vector.broadcast %add3A_69 : i32 to vector<16xi32>
    %add3A_71 = arith.addi %add3A_70, %iota3A : vector<16xi32>
    %swap3A_72 = arith.constant 16 : index
    %swap3A_73 = tpu.vector_load %arg7[%swap3A_72] {strides = array<i32>} : memref<80xi32, #tpu.memory_space<vmem>>, vector<16xi32>,
    tpu.vector_store %arg7[%swap3A_72], %add3A_71 {strides = array<i32>} : memref<80xi32, #tpu.memory_space<vmem>>, vector<16xi32>,
    %add3A_74 = arith.constant 80 : i32
    %add3A_75 = arith.addi %mul3A_5, %add3A_74 : i32
    %add3A_76 = arith.constant 32 : i32
    %add3A_77 = arith.addi %add3A_75, %add3A_76 : i32
    %add3A_78 = vector.broadcast %add3A_77 : i32 to vector<16xi32>
    %add3A_79 = arith.addi %add3A_78, %iota3A : vector<16xi32>
    %swap3A_80 = arith.constant 32 : index
    %swap3A_81 = tpu.vector_load %arg7[%swap3A_80] {strides = array<i32>} : memref<80xi32, #tpu.memory_space<vmem>>, vector<16xi32>,
    tpu.vector_store %arg7[%swap3A_80], %add3A_79 {strides = array<i32>} : memref<80xi32, #tpu.memory_space<vmem>>, vector<16xi32>,
    %add3A_82 = arith.constant 80 : i32
    %add3A_83 = arith.addi %mul3A_5, %add3A_82 : i32
    %add3A_84 = arith.constant 48 : i32
    %add3A_85 = arith.addi %add3A_83, %add3A_84 : i32
    %add3A_86 = vector.broadcast %add3A_85 : i32 to vector<16xi32>
    %add3A_87 = arith.addi %add3A_86, %iota3A : vector<16xi32>
    %swap3A_88 = arith.constant 48 : index
    %swap3A_89 = tpu.vector_load %arg7[%swap3A_88] {strides = array<i32>} : memref<80xi32, #tpu.memory_space<vmem>>, vector<16xi32>,
    tpu.vector_store %arg7[%swap3A_88], %add3A_87 {strides = array<i32>} : memref<80xi32, #tpu.memory_space<vmem>>, vector<16xi32>,
    %add3A_90 = arith.constant 80 : i32
    %add3A_91 = arith.addi %mul3A_5, %add3A_90 : i32
    %add3A_92 = arith.constant 64 : i32
    %add3A_93 = arith.addi %add3A_91, %add3A_92 : i32
    %add3A_94 = vector.broadcast %add3A_93 : i32 to vector<16xi32>
    %add3A_95 = arith.addi %add3A_94, %iota3A : vector<16xi32>
    %swap3A_96 = arith.constant 64 : index
    %swap3A_97 = tpu.vector_load %arg7[%swap3A_96] {strides = array<i32>} : memref<80xi32, #tpu.memory_space<vmem>>, vector<16xi32>,
    tpu.vector_store %arg7[%swap3A_96], %add3A_95 {strides = array<i32>} : memref<80xi32, #tpu.memory_space<vmem>>, vector<16xi32>,
    "tpu.region"() ({
      %run_scoped3A_752 = tpu.sem_alloc : memref<!tpu.dma_semaphore, #tpu.memory_space<semaphore_mem>>
      %dma_start3A_753 = arith.constant 0 : i32
      %dma_start3A_754 = arith.constant 0 : i32
      %dma_start3A_755 = tpu.memref_slice %arg14[%dma_start3A_753, %dma_start3A_754] : memref<10000x128xf32, #tpu.memory_space<vmem_shared>> -> memref<10000x128xf32, #tpu.memory_space<vmem_shared>>
      tpu.enqueue_indirect_dma source(%arg11 : memref<80x128xf32, #tpu.memory_space<vmem>>) target(%dma_start3A_755 : memref<10000x128xf32, #tpu.memory_space<vmem_shared>>) offsets(%arg7 : memref<80xi32, #tpu.memory_space<vmem>>) semaphore(%run_scoped3A_752 : memref<!tpu.dma_semaphore, #tpu.memory_space<semaphore_mem>>)
      %dma_wait3A_756 = arith.constant 0 : i32
      %dma_wait3A_757 = arith.constant 0 : i32
      %dma_wait3A_758 = tpu.memref_slice %arg14[%dma_wait3A_756, %dma_wait3A_757] : memref<10000x128xf32, #tpu.memory_space<vmem_shared>> -> memref<10000x128xf32, #tpu.memory_space<vmem_shared>>
      tpu.wait_indirect_dma semaphore(%run_scoped3A_752 : memref<!tpu.dma_semaphore, #tpu.memory_space<semaphore_mem>>) src(%arg11 : memref<80x128xf32, #tpu.memory_space<vmem>>) dst(%dma_wait3A_758 : memref<10000x128xf32, #tpu.memory_space<vmem_shared>>)
      tpu.yield
    }) : () -> ()
    %add3A_98 = arith.constant 160 : i32
    %add3A_99 = arith.addi %mul3A_5, %add3A_98 : i32
    %add3A_100 = arith.constant 0 : i32
    %add3A_101 = arith.addi %add3A_99, %add3A_100 : i32
    %add3A_102 = vector.broadcast %add3A_101 : i32 to vector<16xi32>
    %add3A_103 = arith.addi %add3A_102, %iota3A : vector<16xi32>
    %swap3A_104 = arith.constant 0 : index
    %swap3A_105 = tpu.vector_load %arg7[%swap3A_104] {strides = array<i32>} : memref<80xi32, #tpu.memory_space<vmem>>, vector<16xi32>,
    tpu.vector_store %arg7[%swap3A_104], %add3A_103 {strides = array<i32>} : memref<80xi32, #tpu.memory_space<vmem>>, vector<16xi32>,
    %add3A_106 = arith.constant 160 : i32
    %add3A_107 = arith.addi %mul3A_5, %add3A_106 : i32
    %add3A_108 = arith.constant 16 : i32
    %add3A_109 = arith.addi %add3A_107, %add3A_108 : i32
    %add3A_110 = vector.broadcast %add3A_109 : i32 to vector<16xi32>
    %add3A_111 = arith.addi %add3A_110, %iota3A : vector<16xi32>
    %swap3A_112 = arith.constant 16 : index
    %swap3A_113 = tpu.vector_load %arg7[%swap3A_112] {strides = array<i32>} : memref<80xi32, #tpu.memory_space<vmem>>, vector<16xi32>,
    tpu.vector_store %arg7[%swap3A_112], %add3A_111 {strides = array<i32>} : memref<80xi32, #tpu.memory_space<vmem>>, vector<16xi32>,
    %add3A_114 = arith.constant 160 : i32
    %add3A_115 = arith.addi %mul3A_5, %add3A_114 : i32
    %add3A_116 = arith.constant 32 : i32
    %add3A_117 = arith.addi %add3A_115, %add3A_116 : i32
    %add3A_118 = vector.broadcast %add3A_117 : i32 to vector<16xi32>
    %add3A_119 = arith.addi %add3A_118, %iota3A : vector<16xi32>
    %swap3A_120 = arith.constant 32 : index
    %swap3A_121 = tpu.vector_load %arg7[%swap3A_120] {strides = array<i32>} : memref<80xi32, #tpu.memory_space<vmem>>, vector<16xi32>,
    tpu.vector_store %arg7[%swap3A_120], %add3A_119 {strides = array<i32>} : memref<80xi32, #tpu.memory_space<vmem>>, vector<16xi32>,
    %add3A_122 = arith.constant 160 : i32
    %add3A_123 = arith.addi %mul3A_5, %add3A_122 : i32
    %add3A_124 = arith.constant 48 : i32
    %add3A_125 = arith.addi %add3A_123, %add3A_124 : i32
    %add3A_126 = vector.broadcast %add3A_125 : i32 to vector<16xi32>
    %add3A_127 = arith.addi %add3A_126, %iota3A : vector<16xi32>
    %swap3A_128 = arith.constant 48 : index
    %swap3A_129 = tpu.vector_load %arg7[%swap3A_128] {strides = array<i32>} : memref<80xi32, #tpu.memory_space<vmem>>, vector<16xi32>,
    tpu.vector_store %arg7[%swap3A_128], %add3A_127 {strides = array<i32>} : memref<80xi32, #tpu.memory_space<vmem>>, vector<16xi32>,
    %add3A_130 = arith.constant 160 : i32
    %add3A_131 = arith.addi %mul3A_5, %add3A_130 : i32
    %add3A_132 = arith.constant 64 : i32
    %add3A_133 = arith.addi %add3A_131, %add3A_132 : i32
    %add3A_134 = vector.broadcast %add3A_133 : i32 to vector<16xi32>
    %add3A_135 = arith.addi %add3A_134, %iota3A : vector<16xi32>
    %swap3A_136 = arith.constant 64 : index
    %swap3A_137 = tpu.vector_load %arg7[%swap3A_136] {strides = array<i32>} : memref<80xi32, #tpu.memory_space<vmem>>, vector<16xi32>,
    tpu.vector_store %arg7[%swap3A_136], %add3A_135 {strides = array<i32>} : memref<80xi32, #tpu.memory_space<vmem>>, vector<16xi32>,
    "tpu.region"() ({
      %run_scoped3A_752 = tpu.sem_alloc : memref<!tpu.dma_semaphore, #tpu.memory_space<semaphore_mem>>
      %dma_start3A_753 = arith.constant 0 : i32
      %dma_start3A_754 = arith.constant 0 : i32
      %dma_start3A_755 = tpu.memref_slice %arg14[%dma_start3A_753, %dma_start3A_754] : memref<10000x128xf32, #tpu.memory_space<vmem_shared>> -> memref<10000x128xf32, #tpu.memory_space<vmem_shared>>
      tpu.enqueue_indirect_dma source(%arg11 : memref<80x128xf32, #tpu.memory_space<vmem>>) target(%dma_start3A_755 : memref<10000x128xf32, #tpu.memory_space<vmem_shared>>) offsets(%arg7 : memref<80xi32, #tpu.memory_space<vmem>>) semaphore(%run_scoped3A_752 : memref<!tpu.dma_semaphore, #tpu.memory_space<semaphore_mem>>)
      %dma_wait3A_756 = arith.constant 0 : i32
      %dma_wait3A_757 = arith.constant 0 : i32
      %dma_wait3A_758 = tpu.memref_slice %arg14[%dma_wait3A_756, %dma_wait3A_757] : memref<10000x128xf32, #tpu.memory_space<vmem_shared>> -> memref<10000x128xf32, #tpu.memory_space<vmem_shared>>
      tpu.wait_indirect_dma semaphore(%run_scoped3A_752 : memref<!tpu.dma_semaphore, #tpu.memory_space<semaphore_mem>>) src(%arg11 : memref<80x128xf32, #tpu.memory_space<vmem>>) dst(%dma_wait3A_758 : memref<10000x128xf32, #tpu.memory_space<vmem_shared>>)
      tpu.yield
    }) : () -> ()
    %add3A_138 = arith.constant 240 : i32
    %add3A_139 = arith.addi %mul3A_5, %add3A_138 : i32
    %add3A_140 = arith.constant 0 : i32
    %add3A_141 = arith.addi %add3A_139, %add3A_140 : i32
    %add3A_142 = vector.broadcast %add3A_141 : i32 to vector<16xi32>
    %add3A_143 = arith.addi %add3A_142, %iota3A : vector<16xi32>
    %swap3A_144 = arith.constant 0 : index
    %swap3A_145 = tpu.vector_load %arg7[%swap3A_144] {strides = array<i32>} : memref<80xi32, #tpu.memory_space<vmem>>, vector<16xi32>,
    tpu.vector_store %arg7[%swap3A_144], %add3A_143 {strides = array<i32>} : memref<80xi32, #tpu.memory_space<vmem>>, vector<16xi32>,
    %add3A_146 = arith.constant 240 : i32
    %add3A_147 = arith.addi %mul3A_5, %add3A_146 : i32
    %add3A_148 = arith.constant 16 : i32
    %add3A_149 = arith.addi %add3A_147, %add3A_148 : i32
    %add3A_150 = vector.broadcast %add3A_149 : i32 to vector<16xi32>
    %add3A_151 = arith.addi %add3A_150, %iota3A : vector<16xi32>
    %swap3A_152 = arith.constant 16 : index
    %swap3A_153 = tpu.vector_load %arg7[%swap3A_152] {strides = array<i32>} : memref<80xi32, #tpu.memory_space<vmem>>, vector<16xi32>,
    tpu.vector_store %arg7[%swap3A_152], %add3A_151 {strides = array<i32>} : memref<80xi32, #tpu.memory_space<vmem>>, vector<16xi32>,
    %add3A_154 = arith.constant 240 : i32
    %add3A_155 = arith.addi %mul3A_5, %add3A_154 : i32
    %add3A_156 = arith.constant 32 : i32
    %add3A_157 = arith.addi %add3A_155, %add3A_156 : i32
    %add3A_158 = vector.broadcast %add3A_157 : i32 to vector<16xi32>
    %add3A_159 = arith.addi %add3A_158, %iota3A : vector<16xi32>
    %swap3A_160 = arith.constant 32 : index
    %swap3A_161 = tpu.vector_load %arg7[%swap3A_160] {strides = array<i32>} : memref<80xi32, #tpu.memory_space<vmem>>, vector<16xi32>,
    tpu.vector_store %arg7[%swap3A_160], %add3A_159 {strides = array<i32>} : memref<80xi32, #tpu.memory_space<vmem>>, vector<16xi32>,
    %add3A_162 = arith.constant 240 : i32
    %add3A_163 = arith.addi %mul3A_5, %add3A_162 : i32
    %add3A_164 = arith.constant 48 : i32
    %add3A_165 = arith.addi %add3A_163, %add3A_164 : i32
    %add3A_166 = vector.broadcast %add3A_165 : i32 to vector<16xi32>
    %add3A_167 = arith.addi %add3A_166, %iota3A : vector<16xi32>
    %swap3A_168 = arith.constant 48 : index
    %swap3A_169 = tpu.vector_load %arg7[%swap3A_168] {strides = array<i32>} : memref<80xi32, #tpu.memory_space<vmem>>, vector<16xi32>,
    tpu.vector_store %arg7[%swap3A_168], %add3A_167 {strides = array<i32>} : memref<80xi32, #tpu.memory_space<vmem>>, vector<16xi32>,
    %add3A_170 = arith.constant 240 : i32
    %add3A_171 = arith.addi %mul3A_5, %add3A_170 : i32
    %add3A_172 = arith.constant 64 : i32
    %add3A_173 = arith.addi %add3A_171, %add3A_172 : i32
    %add3A_174 = vector.broadcast %add3A_173 : i32 to vector<16xi32>
    %add3A_175 = arith.addi %add3A_174, %iota3A : vector<16xi32>
    %swap3A_176 = arith.constant 64 : index
    %swap3A_177 = tpu.vector_load %arg7[%swap3A_176] {strides = array<i32>} : memref<80xi32, #tpu.memory_space<vmem>>, vector<16xi32>,
    tpu.vector_store %arg7[%swap3A_176], %add3A_175 {strides = array<i32>} : memref<80xi32, #tpu.memory_space<vmem>>, vector<16xi32>,
    "tpu.region"() ({
      %run_scoped3A_752 = tpu.sem_alloc : memref<!tpu.dma_semaphore, #tpu.memory_space<semaphore_mem>>
      %dma_start3A_753 = arith.constant 0 : i32
      %dma_start3A_754 = arith.constant 0 : i32
      %dma_start3A_755 = tpu.memref_slice %arg14[%dma_start3A_753, %dma_start3A_754] : memref<10000x128xf32, #tpu.memory_space<vmem_shared>> -> memref<10000x128xf32, #tpu.memory_space<vmem_shared>>
      tpu.enqueue_indirect_dma source(%arg11 : memref<80x128xf32, #tpu.memory_space<vmem>>) target(%dma_start3A_755 : memref<10000x128xf32, #tpu.memory_space<vmem_shared>>) offsets(%arg7 : memref<80xi32, #tpu.memory_space<vmem>>) semaphore(%run_scoped3A_752 : memref<!tpu.dma_semaphore, #tpu.memory_space<semaphore_mem>>)
      %dma_wait3A_756 = arith.constant 0 : i32
      %dma_wait3A_757 = arith.constant 0 : i32
      %dma_wait3A_758 = tpu.memref_slice %arg14[%dma_wait3A_756, %dma_wait3A_757] : memref<10000x128xf32, #tpu.memory_space<vmem_shared>> -> memref<10000x128xf32, #tpu.memory_space<vmem_shared>>
      tpu.wait_indirect_dma semaphore(%run_scoped3A_752 : memref<!tpu.dma_semaphore, #tpu.memory_space<semaphore_mem>>) src(%arg11 : memref<80x128xf32, #tpu.memory_space<vmem>>) dst(%dma_wait3A_758 : memref<10000x128xf32, #tpu.memory_space<vmem_shared>>)
      tpu.yield
    }) : () -> ()
    %add3A_178 = arith.constant 320 : i32
    %add3A_179 = arith.addi %mul3A_5, %add3A_178 : i32
    %add3A_180 = arith.constant 0 : i32
    %add3A_181 = arith.addi %add3A_179, %add3A_180 : i32
    %add3A_182 = vector.broadcast %add3A_181 : i32 to vector<16xi32>
    %add3A_183 = arith.addi %add3A_182, %iota3A : vector<16xi32>
    %swap3A_184 = arith.constant 0 : index
    %swap3A_185 = tpu.vector_load %arg7[%swap3A_184] {strides = array<i32>} : memref<80xi32, #tpu.memory_space<vmem>>, vector<16xi32>,
    tpu.vector_store %arg7[%swap3A_184], %add3A_183 {strides = array<i32>} : memref<80xi32, #tpu.memory_space<vmem>>, vector<16xi32>,
    %add3A_186 = arith.constant 320 : i32
    %add3A_187 = arith.addi %mul3A_5, %add3A_186 : i32
    %add3A_188 = arith.constant 16 : i32
    %add3A_189 = arith.addi %add3A_187, %add3A_188 : i32
    %add3A_190 = vector.broadcast %add3A_189 : i32 to vector<16xi32>
    %add3A_191 = arith.addi %add3A_190, %iota3A : vector<16xi32>
    %swap3A_192 = arith.constant 16 : index
    %swap3A_193 = tpu.vector_load %arg7[%swap3A_192] {strides = array<i32>} : memref<80xi32, #tpu.memory_space<vmem>>, vector<16xi32>,
    tpu.vector_store %arg7[%swap3A_192], %add3A_191 {strides = array<i32>} : memref<80xi32, #tpu.memory_space<vmem>>, vector<16xi32>,
    %add3A_194 = arith.constant 320 : i32
    %add3A_195 = arith.addi %mul3A_5, %add3A_194 : i32
    %add3A_196 = arith.constant 32 : i32
    %add3A_197 = arith.addi %add3A_195, %add3A_196 : i32
    %add3A_198 = vector.broadcast %add3A_197 : i32 to vector<16xi32>
    %add3A_199 = arith.addi %add3A_198, %iota3A : vector<16xi32>
    %swap3A_200 = arith.constant 32 : index
    %swap3A_201 = tpu.vector_load %arg7[%swap3A_200] {strides = array<i32>} : memref<80xi32, #tpu.memory_space<vmem>>, vector<16xi32>,
    tpu.vector_store %arg7[%swap3A_200], %add3A_199 {strides = array<i32>} : memref<80xi32, #tpu.memory_space<vmem>>, vector<16xi32>,
    %add3A_202 = arith.constant 320 : i32
    %add3A_203 = arith.addi %mul3A_5, %add3A_202 : i32
    %add3A_204 = arith.constant 48 : i32
    %add3A_205 = arith.addi %add3A_203, %add3A_204 : i32
    %add3A_206 = vector.broadcast %add3A_205 : i32 to vector<16xi32>
    %add3A_207 = arith.addi %add3A_206, %iota3A : vector<16xi32>
    %swap3A_208 = arith.constant 48 : index
    %swap3A_209 = tpu.vector_load %arg7[%swap3A_208] {strides = array<i32>} : memref<80xi32, #tpu.memory_space<vmem>>, vector<16xi32>,
    tpu.vector_store %arg7[%swap3A_208], %add3A_207 {strides = array<i32>} : memref<80xi32, #tpu.memory_space<vmem>>, vector<16xi32>,
    %add3A_210 = arith.constant 320 : i32
    %add3A_211 = arith.addi %mul3A_5, %add3A_210 : i32
    %add3A_212 = arith.constant 64 : i32
    %add3A_213 = arith.addi %add3A_211, %add3A_212 : i32
    %add3A_214 = vector.broadcast %add3A_213 : i32 to vector<16xi32>
    %add3A_215 = arith.addi %add3A_214, %iota3A : vector<16xi32>
    %swap3A_216 = arith.constant 64 : index
    %swap3A_217 = tpu.vector_load %arg7[%swap3A_216] {strides = array<i32>} : memref<80xi32, #tpu.memory_space<vmem>>, vector<16xi32>,
    tpu.vector_store %arg7[%swap3A_216], %add3A_215 {strides = array<i32>} : memref<80xi32, #tpu.memory_space<vmem>>, vector<16xi32>,
    "tpu.region"() ({
      %run_scoped3A_752 = tpu.sem_alloc : memref<!tpu.dma_semaphore, #tpu.memory_space<semaphore_mem>>
      %dma_start3A_753 = arith.constant 0 : i32
      %dma_start3A_754 = arith.constant 0 : i32
      %dma_start3A_755 = tpu.memref_slice %arg14[%dma_start3A_753, %dma_start3A_754] : memref<10000x128xf32, #tpu.memory_space<vmem_shared>> -> memref<10000x128xf32, #tpu.memory_space<vmem_shared>>
      tpu.enqueue_indirect_dma source(%arg11 : memref<80x128xf32, #tpu.memory_space<vmem>>) target(%dma_start3A_755 : memref<10000x128xf32, #tpu.memory_space<vmem_shared>>) offsets(%arg7 : memref<80xi32, #tpu.memory_space<vmem>>) semaphore(%run_scoped3A_752 : memref<!tpu.dma_semaphore, #tpu.memory_space<semaphore_mem>>)
      %dma_wait3A_756 = arith.constant 0 : i32
      %dma_wait3A_757 = arith.constant 0 : i32
      %dma_wait3A_758 = tpu.memref_slice %arg14[%dma_wait3A_756, %dma_wait3A_757] : memref<10000x128xf32, #tpu.memory_space<vmem_shared>> -> memref<10000x128xf32, #tpu.memory_space<vmem_shared>>
      tpu.wait_indirect_dma semaphore(%run_scoped3A_752 : memref<!tpu.dma_semaphore, #tpu.memory_space<semaphore_mem>>) src(%arg11 : memref<80x128xf32, #tpu.memory_space<vmem>>) dst(%dma_wait3A_758 : memref<10000x128xf32, #tpu.memory_space<vmem_shared>>)
      tpu.yield
    }) : () -> ()
    %add3A_218 = arith.constant 400 : i32
    %add3A_219 = arith.addi %mul3A_5, %add3A_218 : i32
    %add3A_220 = arith.constant 0 : i32
    %add3A_221 = arith.addi %add3A_219, %add3A_220 : i32
    %add3A_222 = vector.broadcast %add3A_221 : i32 to vector<16xi32>
    %add3A_223 = arith.addi %add3A_222, %iota3A : vector<16xi32>
    %swap3A_224 = arith.constant 0 : index
    %swap3A_225 = tpu.vector_load %arg7[%swap3A_224] {strides = array<i32>} : memref<80xi32, #tpu.memory_space<vmem>>, vector<16xi32>,
    tpu.vector_store %arg7[%swap3A_224], %add3A_223 {strides = array<i32>} : memref<80xi32, #tpu.memory_space<vmem>>, vector<16xi32>,
    %add3A_226 = arith.constant 400 : i32
    %add3A_227 = arith.addi %mul3A_5, %add3A_226 : i32
    %add3A_228 = arith.constant 16 : i32
    %add3A_229 = arith.addi %add3A_227, %add3A_228 : i32
    %add3A_230 = vector.broadcast %add3A_229 : i32 to vector<16xi32>
    %add3A_231 = arith.addi %add3A_230, %iota3A : vector<16xi32>
    %swap3A_232 = arith.constant 16 : index
    %swap3A_233 = tpu.vector_load %arg7[%swap3A_232] {strides = array<i32>} : memref<80xi32, #tpu.memory_space<vmem>>, vector<16xi32>,
    tpu.vector_store %arg7[%swap3A_232], %add3A_231 {strides = array<i32>} : memref<80xi32, #tpu.memory_space<vmem>>, vector<16xi32>,
    %add3A_234 = arith.constant 400 : i32
    %add3A_235 = arith.addi %mul3A_5, %add3A_234 : i32
    %add3A_236 = arith.constant 32 : i32
    %add3A_237 = arith.addi %add3A_235, %add3A_236 : i32
    %add3A_238 = vector.broadcast %add3A_237 : i32 to vector<16xi32>
    %add3A_239 = arith.addi %add3A_238, %iota3A : vector<16xi32>
    %swap3A_240 = arith.constant 32 : index
    %swap3A_241 = tpu.vector_load %arg7[%swap3A_240] {strides = array<i32>} : memref<80xi32, #tpu.memory_space<vmem>>, vector<16xi32>,
    tpu.vector_store %arg7[%swap3A_240], %add3A_239 {strides = array<i32>} : memref<80xi32, #tpu.memory_space<vmem>>, vector<16xi32>,
    %add3A_242 = arith.constant 400 : i32
    %add3A_243 = arith.addi %mul3A_5, %add3A_242 : i32
    %add3A_244 = arith.constant 48 : i32
    %add3A_245 = arith.addi %add3A_243, %add3A_244 : i32
    %add3A_246 = vector.broadcast %add3A_245 : i32 to vector<16xi32>
    %add3A_247 = arith.addi %add3A_246, %iota3A : vector<16xi32>
    %swap3A_248 = arith.constant 48 : index
    %swap3A_249 = tpu.vector_load %arg7[%swap3A_248] {strides = array<i32>} : memref<80xi32, #tpu.memory_space<vmem>>, vector<16xi32>,
    tpu.vector_store %arg7[%swap3A_248], %add3A_247 {strides = array<i32>} : memref<80xi32, #tpu.memory_space<vmem>>, vector<16xi32>,
    %add3A_250 = arith.constant 400 : i32
    %add3A_251 = arith.addi %mul3A_5, %add3A_250 : i32
    %add3A_252 = arith.constant 64 : i32
    %add3A_253 = arith.addi %add3A_251, %add3A_252 : i32
    %add3A_254 = vector.broadcast %add3A_253 : i32 to vector<16xi32>
    %add3A_255 = arith.addi %add3A_254, %iota3A : vector<16xi32>
    %swap3A_256 = arith.constant 64 : index
    %swap3A_257 = tpu.vector_load %arg7[%swap3A_256] {strides = array<i32>} : memref<80xi32, #tpu.memory_space<vmem>>, vector<16xi32>,
    tpu.vector_store %arg7[%swap3A_256], %add3A_255 {strides = array<i32>} : memref<80xi32, #tpu.memory_space<vmem>>, vector<16xi32>,
    "tpu.region"() ({
      %run_scoped3A_752 = tpu.sem_alloc : memref<!tpu.dma_semaphore, #tpu.memory_space<semaphore_mem>>
      %dma_start3A_753 = arith.constant 0 : i32
      %dma_start3A_754 = arith.constant 0 : i32
      %dma_start3A_755 = tpu.memref_slice %arg14[%dma_start3A_753, %dma_start3A_754] : memref<10000x128xf32, #tpu.memory_space<vmem_shared>> -> memref<10000x128xf32, #tpu.memory_space<vmem_shared>>
      tpu.enqueue_indirect_dma source(%arg11 : memref<80x128xf32, #tpu.memory_space<vmem>>) target(%dma_start3A_755 : memref<10000x128xf32, #tpu.memory_space<vmem_shared>>) offsets(%arg7 : memref<80xi32, #tpu.memory_space<vmem>>) semaphore(%run_scoped3A_752 : memref<!tpu.dma_semaphore, #tpu.memory_space<semaphore_mem>>)
      %dma_wait3A_756 = arith.constant 0 : i32
      %dma_wait3A_757 = arith.constant 0 : i32
      %dma_wait3A_758 = tpu.memref_slice %arg14[%dma_wait3A_756, %dma_wait3A_757] : memref<10000x128xf32, #tpu.memory_space<vmem_shared>> -> memref<10000x128xf32, #tpu.memory_space<vmem_shared>>
      tpu.wait_indirect_dma semaphore(%run_scoped3A_752 : memref<!tpu.dma_semaphore, #tpu.memory_space<semaphore_mem>>) src(%arg11 : memref<80x128xf32, #tpu.memory_space<vmem>>) dst(%dma_wait3A_758 : memref<10000x128xf32, #tpu.memory_space<vmem_shared>>)
      tpu.yield
    }) : () -> ()
    %add3A_258 = arith.constant 480 : i32
    %add3A_259 = arith.addi %mul3A_5, %add3A_258 : i32
    %add3A_260 = arith.constant 0 : i32
    %add3A_261 = arith.addi %add3A_259, %add3A_260 : i32
    %add3A_262 = vector.broadcast %add3A_261 : i32 to vector<16xi32>
    %add3A_263 = arith.addi %add3A_262, %iota3A : vector<16xi32>
    %swap3A_264 = arith.constant 0 : index
    %swap3A_265 = tpu.vector_load %arg7[%swap3A_264] {strides = array<i32>} : memref<80xi32, #tpu.memory_space<vmem>>, vector<16xi32>,
    tpu.vector_store %arg7[%swap3A_264], %add3A_263 {strides = array<i32>} : memref<80xi32, #tpu.memory_space<vmem>>, vector<16xi32>,
    %add3A_266 = arith.constant 480 : i32
    %add3A_267 = arith.addi %mul3A_5, %add3A_266 : i32
    %add3A_268 = arith.constant 16 : i32
    %add3A_269 = arith.addi %add3A_267, %add3A_268 : i32
    %add3A_270 = vector.broadcast %add3A_269 : i32 to vector<16xi32>
    %add3A_271 = arith.addi %add3A_270, %iota3A : vector<16xi32>
    %swap3A_272 = arith.constant 16 : index
    %swap3A_273 = tpu.vector_load %arg7[%swap3A_272] {strides = array<i32>} : memref<80xi32, #tpu.memory_space<vmem>>, vector<16xi32>,
    tpu.vector_store %arg7[%swap3A_272], %add3A_271 {strides = array<i32>} : memref<80xi32, #tpu.memory_space<vmem>>, vector<16xi32>,
    %add3A_274 = arith.constant 480 : i32
    %add3A_275 = arith.addi %mul3A_5, %add3A_274 : i32
    %add3A_276 = arith.constant 32 : i32
    %add3A_277 = arith.addi %add3A_275, %add3A_276 : i32
    %add3A_278 = vector.broadcast %add3A_277 : i32 to vector<16xi32>
    %add3A_279 = arith.addi %add3A_278, %iota3A : vector<16xi32>
    %swap3A_280 = arith.constant 32 : index
    %swap3A_281 = tpu.vector_load %arg7[%swap3A_280] {strides = array<i32>} : memref<80xi32, #tpu.memory_space<vmem>>, vector<16xi32>,
    tpu.vector_store %arg7[%swap3A_280], %add3A_279 {strides = array<i32>} : memref<80xi32, #tpu.memory_space<vmem>>, vector<16xi32>,
    %add3A_282 = arith.constant 480 : i32
    %add3A_283 = arith.addi %mul3A_5, %add3A_282 : i32
    %add3A_284 = arith.constant 48 : i32
    %add3A_285 = arith.addi %add3A_283, %add3A_284 : i32
    %add3A_286 = vector.broadcast %add3A_285 : i32 to vector<16xi32>
    %add3A_287 = arith.addi %add3A_286, %iota3A : vector<16xi32>
    %swap3A_288 = arith.constant 48 : index
    %swap3A_289 = tpu.vector_load %arg7[%swap3A_288] {strides = array<i32>} : memref<80xi32, #tpu.memory_space<vmem>>, vector<16xi32>,
    tpu.vector_store %arg7[%swap3A_288], %add3A_287 {strides = array<i32>} : memref<80xi32, #tpu.memory_space<vmem>>, vector<16xi32>,
    %add3A_290 = arith.constant 480 : i32
    %add3A_291 = arith.addi %mul3A_5, %add3A_290 : i32
    %add3A_292 = arith.constant 64 : i32
    %add3A_293 = arith.addi %add3A_291, %add3A_292 : i32
    %add3A_294 = vector.broadcast %add3A_293 : i32 to vector<16xi32>
    %add3A_295 = arith.addi %add3A_294, %iota3A : vector<16xi32>
    %swap3A_296 = arith.constant 64 : index
    %swap3A_297 = tpu.vector_load %arg7[%swap3A_296] {strides = array<i32>} : memref<80xi32, #tpu.memory_space<vmem>>, vector<16xi32>,
    tpu.vector_store %arg7[%swap3A_296], %add3A_295 {strides = array<i32>} : memref<80xi32, #tpu.memory_space<vmem>>, vector<16xi32>,
    "tpu.region"() ({
      %run_scoped3A_752 = tpu.sem_alloc : memref<!tpu.dma_semaphore, #tpu.memory_space<semaphore_mem>>
      %dma_start3A_753 = arith.constant 0 : i32
      %dma_start3A_754 = arith.constant 0 : i32
      %dma_start3A_755 = tpu.memref_slice %arg14[%dma_start3A_753, %dma_start3A_754] : memref<10000x128xf32, #tpu.memory_space<vmem_shared>> -> memref<10000x128xf32, #tpu.memory_space<vmem_shared>>
      tpu.enqueue_indirect_dma source(%arg11 : memref<80x128xf32, #tpu.memory_space<vmem>>) target(%dma_start3A_755 : memref<10000x128xf32, #tpu.memory_space<vmem_shared>>) offsets(%arg7 : memref<80xi32, #tpu.memory_space<vmem>>) semaphore(%run_scoped3A_752 : memref<!tpu.dma_semaphore, #tpu.memory_space<semaphore_mem>>)
      %dma_wait3A_756 = arith.constant 0 : i32
      %dma_wait3A_757 = arith.constant 0 : i32
      %dma_wait3A_758 = tpu.memref_slice %arg14[%dma_wait3A_756, %dma_wait3A_757] : memref<10000x128xf32, #tpu.memory_space<vmem_shared>> -> memref<10000x128xf32, #tpu.memory_space<vmem_shared>>
      tpu.wait_indirect_dma semaphore(%run_scoped3A_752 : memref<!tpu.dma_semaphore, #tpu.memory_space<semaphore_mem>>) src(%arg11 : memref<80x128xf32, #tpu.memory_space<vmem>>) dst(%dma_wait3A_758 : memref<10000x128xf32, #tpu.memory_space<vmem_shared>>)
      tpu.yield
    }) : () -> ()
    %add3A_298 = arith.constant 560 : i32
    %add3A_299 = arith.addi %mul3A_5, %add3A_298 : i32
    %add3A_300 = arith.constant 0 : i32
    %add3A_301 = arith.addi %add3A_299, %add3A_300 : i32
    %add3A_302 = vector.broadcast %add3A_301 : i32 to vector<16xi32>
    %add3A_303 = arith.addi %add3A_302, %iota3A : vector<16xi32>
    %swap3A_304 = arith.constant 0 : index
    %swap3A_305 = tpu.vector_load %arg7[%swap3A_304] {strides = array<i32>} : memref<80xi32, #tpu.memory_space<vmem>>, vector<16xi32>,
    tpu.vector_store %arg7[%swap3A_304], %add3A_303 {strides = array<i32>} : memref<80xi32, #tpu.memory_space<vmem>>, vector<16xi32>,
    %add3A_306 = arith.constant 560 : i32
    %add3A_307 = arith.addi %mul3A_5, %add3A_306 : i32
    %add3A_308 = arith.constant 16 : i32
    %add3A_309 = arith.addi %add3A_307, %add3A_308 : i32
    %add3A_310 = vector.broadcast %add3A_309 : i32 to vector<16xi32>
    %add3A_311 = arith.addi %add3A_310, %iota3A : vector<16xi32>
    %swap3A_312 = arith.constant 16 : index
    %swap3A_313 = tpu.vector_load %arg7[%swap3A_312] {strides = array<i32>} : memref<80xi32, #tpu.memory_space<vmem>>, vector<16xi32>,
    tpu.vector_store %arg7[%swap3A_312], %add3A_311 {strides = array<i32>} : memref<80xi32, #tpu.memory_space<vmem>>, vector<16xi32>,
    %add3A_314 = arith.constant 560 : i32
    %add3A_315 = arith.addi %mul3A_5, %add3A_314 : i32
    %add3A_316 = arith.constant 32 : i32
    %add3A_317 = arith.addi %add3A_315, %add3A_316 : i32
    %add3A_318 = vector.broadcast %add3A_317 : i32 to vector<16xi32>
    %add3A_319 = arith.addi %add3A_318, %iota3A : vector<16xi32>
    %swap3A_320 = arith.constant 32 : index
    %swap3A_321 = tpu.vector_load %arg7[%swap3A_320] {strides = array<i32>} : memref<80xi32, #tpu.memory_space<vmem>>, vector<16xi32>,
    tpu.vector_store %arg7[%swap3A_320], %add3A_319 {strides = array<i32>} : memref<80xi32, #tpu.memory_space<vmem>>, vector<16xi32>,
    %add3A_322 = arith.constant 560 : i32
    %add3A_323 = arith.addi %mul3A_5, %add3A_322 : i32
    %add3A_324 = arith.constant 48 : i32
    %add3A_325 = arith.addi %add3A_323, %add3A_324 : i32
    %add3A_326 = vector.broadcast %add3A_325 : i32 to vector<16xi32>
    %add3A_327 = arith.addi %add3A_326, %iota3A : vector<16xi32>
    %swap3A_328 = arith.constant 48 : index
    %swap3A_329 = tpu.vector_load %arg7[%swap3A_328] {strides = array<i32>} : memref<80xi32, #tpu.memory_space<vmem>>, vector<16xi32>,
    tpu.vector_store %arg7[%swap3A_328], %add3A_327 {strides = array<i32>} : memref<80xi32, #tpu.memory_space<vmem>>, vector<16xi32>,
    %add3A_330 = arith.constant 560 : i32
    %add3A_331 = arith.addi %mul3A_5, %add3A_330 : i32
    %add3A_332 = arith.constant 64 : i32
    %add3A_333 = arith.addi %add3A_331, %add3A_332 : i32
    %add3A_334 = vector.broadcast %add3A_333 : i32 to vector<16xi32>
    %add3A_335 = arith.addi %add3A_334, %iota3A : vector<16xi32>
    %swap3A_336 = arith.constant 64 : index
    %swap3A_337 = tpu.vector_load %arg7[%swap3A_336] {strides = array<i32>} : memref<80xi32, #tpu.memory_space<vmem>>, vector<16xi32>,
    tpu.vector_store %arg7[%swap3A_336], %add3A_335 {strides = array<i32>} : memref<80xi32, #tpu.memory_space<vmem>>, vector<16xi32>,
    "tpu.region"() ({
      %run_scoped3A_752 = tpu.sem_alloc : memref<!tpu.dma_semaphore, #tpu.memory_space<semaphore_mem>>
      %dma_start3A_753 = arith.constant 0 : i32
      %dma_start3A_754 = arith.constant 0 : i32
      %dma_start3A_755 = tpu.memref_slice %arg14[%dma_start3A_753, %dma_start3A_754] : memref<10000x128xf32, #tpu.memory_space<vmem_shared>> -> memref<10000x128xf32, #tpu.memory_space<vmem_shared>>
      tpu.enqueue_indirect_dma source(%arg11 : memref<80x128xf32, #tpu.memory_space<vmem>>) target(%dma_start3A_755 : memref<10000x128xf32, #tpu.memory_space<vmem_shared>>) offsets(%arg7 : memref<80xi32, #tpu.memory_space<vmem>>) semaphore(%run_scoped3A_752 : memref<!tpu.dma_semaphore, #tpu.memory_space<semaphore_mem>>)
      %dma_wait3A_756 = arith.constant 0 : i32
      %dma_wait3A_757 = arith.constant 0 : i32
      %dma_wait3A_758 = tpu.memref_slice %arg14[%dma_wait3A_756, %dma_wait3A_757] : memref<10000x128xf32, #tpu.memory_space<vmem_shared>> -> memref<10000x128xf32, #tpu.memory_space<vmem_shared>>
      tpu.wait_indirect_dma semaphore(%run_scoped3A_752 : memref<!tpu.dma_semaphore, #tpu.memory_space<semaphore_mem>>) src(%arg11 : memref<80x128xf32, #tpu.memory_space<vmem>>) dst(%dma_wait3A_758 : memref<10000x128xf32, #tpu.memory_space<vmem_shared>>)
      tpu.yield
    }) : () -> ()
    %barrier3A = arith.constant 0 : index
    tpu.barrier barrier_id(%barrier3A)
    %add3A_338 = arith.constant 0 : i32
    %add3A_339 = arith.addi %mul3A_7, %add3A_338 : i32
    %dma_start3A = tpu.memref_slice %arg3[%add3A_339] : memref<320000xi32, #tpu.memory_space<hbm>> -> memref<80xi32, #tpu.memory_space<hbm>>
    %dma_start3A_340 = tpu.memref_slice %arg3[%add3A_339] : memref<320000xi32, #tpu.memory_space<hbm>> -> memref<80xi32, #tpu.memory_space<hbm>>
    tpu.enqueue_dma source(%dma_start3A_340 : memref<80xi32, #tpu.memory_space<hbm>>) target(%arg7 : memref<80xi32, #tpu.memory_space<vmem>>) target_semaphore(%arg17 : memref<!tpu.dma_semaphore, #tpu.memory_space<semaphore_mem>>)
    %dma_start3A_341 = tpu.memref_slice %arg4[%add3A_339] : memref<320000xi32, #tpu.memory_space<hbm>> -> memref<80xi32, #tpu.memory_space<hbm>>
    %dma_start3A_342 = tpu.memref_slice %arg4[%add3A_339] : memref<320000xi32, #tpu.memory_space<hbm>> -> memref<80xi32, #tpu.memory_space<hbm>>
    tpu.enqueue_dma source(%dma_start3A_342 : memref<80xi32, #tpu.memory_space<hbm>>) target(%arg8 : memref<80xi32, #tpu.memory_space<vmem>>) target_semaphore(%arg18 : memref<!tpu.dma_semaphore, #tpu.memory_space<semaphore_mem>>)
    %dma_wait3A = tpu.memref_slice %arg3[%add3A_339] : memref<320000xi32, #tpu.memory_space<hbm>> -> memref<80xi32, #tpu.memory_space<hbm>>
    %dma_wait3A_343 = tpu.memref_slice %arg3[%add3A_339] : memref<320000xi32, #tpu.memory_space<hbm>> -> memref<80xi32, #tpu.memory_space<hbm>>
    tpu.wait_dma2 semaphore(%arg17 : memref<!tpu.dma_semaphore, #tpu.memory_space<semaphore_mem>>) src(%dma_wait3A_343 : memref<80xi32, #tpu.memory_space<hbm>>) dst(%arg7 : memref<80xi32, #tpu.memory_space<vmem>>)
    %dma_wait3A_344 = tpu.memref_slice %arg4[%add3A_339] : memref<320000xi32, #tpu.memory_space<hbm>> -> memref<80xi32, #tpu.memory_space<hbm>>
    %dma_wait3A_345 = tpu.memref_slice %arg4[%add3A_339] : memref<320000xi32, #tpu.memory_space<hbm>> -> memref<80xi32, #tpu.memory_space<hbm>>
    tpu.wait_dma2 semaphore(%arg18 : memref<!tpu.dma_semaphore, #tpu.memory_space<semaphore_mem>>) src(%dma_wait3A_345 : memref<80xi32, #tpu.memory_space<hbm>>) dst(%arg8 : memref<80xi32, #tpu.memory_space<vmem>>)
    %dma_start3A_346 = arith.constant 0 : i32
    %dma_start3A_347 = arith.constant 0 : i32
    %dma_start3A_348 = tpu.memref_slice %arg2[%dma_start3A_346, %dma_start3A_347] : memref<10000x128xf32, #tpu.memory_space<hbm>> -> memref<10000x128xf32, #tpu.memory_space<hbm>>
    tpu.enqueue_indirect_dma source(%dma_start3A_348 : memref<10000x128xf32, #tpu.memory_space<hbm>>) target(%arg11 : memref<80x128xf32, #tpu.memory_space<vmem>>) offsets(%arg7 : memref<80xi32, #tpu.memory_space<vmem>>) semaphore(%arg15 : memref<!tpu.dma_semaphore, #tpu.memory_space<semaphore_mem>>)
    %get3A = arith.constant 0 : index
    %get3A_349 = tpu.vector_load %arg8[%get3A] {strides = array<i32>} : memref<80xi32, #tpu.memory_space<vmem>>, vector<16xi32>,
    tpu.vector_store_idx %arg13[%get3A_349], %broadcast_in_dim3A_3 {add = true} : memref<10240xf32, #tpu.memory_space<vmem>>[vector<16xi32>], vector<16xf32>,
    %get3A_350 = arith.constant 16 : index
    %get3A_351 = tpu.vector_load %arg8[%get3A_350] {strides = array<i32>} : memref<80xi32, #tpu.memory_space<vmem>>, vector<16xi32>,
    tpu.vector_store_idx %arg13[%get3A_351], %broadcast_in_dim3A_3 {add = true} : memref<10240xf32, #tpu.memory_space<vmem>>[vector<16xi32>], vector<16xf32>,
    %get3A_352 = arith.constant 32 : index
    %get3A_353 = tpu.vector_load %arg8[%get3A_352] {strides = array<i32>} : memref<80xi32, #tpu.memory_space<vmem>>, vector<16xi32>,
    tpu.vector_store_idx %arg13[%get3A_353], %broadcast_in_dim3A_3 {add = true} : memref<10240xf32, #tpu.memory_space<vmem>>[vector<16xi32>], vector<16xf32>,
    %get3A_354 = arith.constant 48 : index
    %get3A_355 = tpu.vector_load %arg8[%get3A_354] {strides = array<i32>} : memref<80xi32, #tpu.memory_space<vmem>>, vector<16xi32>,
    tpu.vector_store_idx %arg13[%get3A_355], %broadcast_in_dim3A_3 {add = true} : memref<10240xf32, #tpu.memory_space<vmem>>[vector<16xi32>], vector<16xf32>,
    %get3A_356 = arith.constant 64 : index
    %get3A_357 = tpu.vector_load %arg8[%get3A_356] {strides = array<i32>} : memref<80xi32, #tpu.memory_space<vmem>>, vector<16xi32>,
    tpu.vector_store_idx %arg13[%get3A_357], %broadcast_in_dim3A_3 {add = true} : memref<10240xf32, #tpu.memory_space<vmem>>[vector<16xi32>], vector<16xf32>,
    %scan3A_358 = arith.constant 0 : i32
    %scan3A_359 = arith.constant 0 : i32
    %scan3A_360 = arith.constant 62 : i32
    %scan3A_361 = arith.addi %scan3A_359, %scan3A_360 : i32
    %scan3A_362 = arith.constant 1 : i32
    scf.for %scan3A_752 = %scan3A_359 to %scan3A_361 step %scan3A_362  : i32 {
      %mul3A_753 = arith.constant 2 : i32
      %mul3A_754 = arith.muli %mul3A_753, %scan3A_752 : i32
      %add3A_755 = arith.constant 1 : i32
      %add3A_756 = arith.addi %mul3A_754, %add3A_755 : i32
      %mul3A_757 = arith.constant 80 : i32
      %mul3A_758 = arith.muli %add3A_756, %mul3A_757 : i32
      %add3A_759 = arith.addi %mul3A_7, %mul3A_758 : i32
      %dma_start3A_760 = tpu.memref_slice %arg3[%add3A_759] : memref<320000xi32, #tpu.memory_space<hbm>> -> memref<80xi32, #tpu.memory_space<hbm>>
      %dma_start3A_761 = tpu.memref_slice %arg3[%add3A_759] : memref<320000xi32, #tpu.memory_space<hbm>> -> memref<80xi32, #tpu.memory_space<hbm>>
      tpu.enqueue_dma source(%dma_start3A_761 : memref<80xi32, #tpu.memory_space<hbm>>) target(%arg9 : memref<80xi32, #tpu.memory_space<vmem>>) target_semaphore(%arg17 : memref<!tpu.dma_semaphore, #tpu.memory_space<semaphore_mem>>)
      %dma_start3A_762 = tpu.memref_slice %arg4[%add3A_759] : memref<320000xi32, #tpu.memory_space<hbm>> -> memref<80xi32, #tpu.memory_space<hbm>>
      %dma_start3A_763 = tpu.memref_slice %arg4[%add3A_759] : memref<320000xi32, #tpu.memory_space<hbm>> -> memref<80xi32, #tpu.memory_space<hbm>>
      tpu.enqueue_dma source(%dma_start3A_763 : memref<80xi32, #tpu.memory_space<hbm>>) target(%arg10 : memref<80xi32, #tpu.memory_space<vmem>>) target_semaphore(%arg18 : memref<!tpu.dma_semaphore, #tpu.memory_space<semaphore_mem>>)
      %dma_wait3A_764 = tpu.memref_slice %arg3[%add3A_759] : memref<320000xi32, #tpu.memory_space<hbm>> -> memref<80xi32, #tpu.memory_space<hbm>>
      %dma_wait3A_765 = tpu.memref_slice %arg3[%add3A_759] : memref<320000xi32, #tpu.memory_space<hbm>> -> memref<80xi32, #tpu.memory_space<hbm>>
      tpu.wait_dma2 semaphore(%arg17 : memref<!tpu.dma_semaphore, #tpu.memory_space<semaphore_mem>>) src(%dma_wait3A_765 : memref<80xi32, #tpu.memory_space<hbm>>) dst(%arg9 : memref<80xi32, #tpu.memory_space<vmem>>)
      %dma_wait3A_766 = tpu.memref_slice %arg4[%add3A_759] : memref<320000xi32, #tpu.memory_space<hbm>> -> memref<80xi32, #tpu.memory_space<hbm>>
      %dma_wait3A_767 = tpu.memref_slice %arg4[%add3A_759] : memref<320000xi32, #tpu.memory_space<hbm>> -> memref<80xi32, #tpu.memory_space<hbm>>
      tpu.wait_dma2 semaphore(%arg18 : memref<!tpu.dma_semaphore, #tpu.memory_space<semaphore_mem>>) src(%dma_wait3A_767 : memref<80xi32, #tpu.memory_space<hbm>>) dst(%arg10 : memref<80xi32, #tpu.memory_space<vmem>>)
      %dma_start3A_768 = arith.constant 0 : i32
      %dma_start3A_769 = arith.constant 0 : i32
      %dma_start3A_770 = tpu.memref_slice %arg2[%dma_start3A_768, %dma_start3A_769] : memref<10000x128xf32, #tpu.memory_space<hbm>> -> memref<10000x128xf32, #tpu.memory_space<hbm>>
      tpu.enqueue_indirect_dma source(%dma_start3A_770 : memref<10000x128xf32, #tpu.memory_space<hbm>>) target(%arg12 : memref<80x128xf32, #tpu.memory_space<vmem>>) offsets(%arg9 : memref<80xi32, #tpu.memory_space<vmem>>) semaphore(%arg16 : memref<!tpu.dma_semaphore, #tpu.memory_space<semaphore_mem>>)
      %get3A_771 = arith.constant 0 : index
      %get3A_772 = tpu.vector_load %arg10[%get3A_771] {strides = array<i32>} : memref<80xi32, #tpu.memory_space<vmem>>, vector<16xi32>,
      tpu.vector_store_idx %arg13[%get3A_772], %broadcast_in_dim3A_3 {add = true} : memref<10240xf32, #tpu.memory_space<vmem>>[vector<16xi32>], vector<16xf32>,
      %get3A_773 = arith.constant 16 : index
      %get3A_774 = tpu.vector_load %arg10[%get3A_773] {strides = array<i32>} : memref<80xi32, #tpu.memory_space<vmem>>, vector<16xi32>,
      tpu.vector_store_idx %arg13[%get3A_774], %broadcast_in_dim3A_3 {add = true} : memref<10240xf32, #tpu.memory_space<vmem>>[vector<16xi32>], vector<16xf32>,
      %get3A_775 = arith.constant 32 : index
      %get3A_776 = tpu.vector_load %arg10[%get3A_775] {strides = array<i32>} : memref<80xi32, #tpu.memory_space<vmem>>, vector<16xi32>,
      tpu.vector_store_idx %arg13[%get3A_776], %broadcast_in_dim3A_3 {add = true} : memref<10240xf32, #tpu.memory_space<vmem>>[vector<16xi32>], vector<16xf32>,
      %get3A_777 = arith.constant 48 : index
      %get3A_778 = tpu.vector_load %arg10[%get3A_777] {strides = array<i32>} : memref<80xi32, #tpu.memory_space<vmem>>, vector<16xi32>,
      tpu.vector_store_idx %arg13[%get3A_778], %broadcast_in_dim3A_3 {add = true} : memref<10240xf32, #tpu.memory_space<vmem>>[vector<16xi32>], vector<16xf32>,
      %get3A_779 = arith.constant 64 : index
      %get3A_780 = tpu.vector_load %arg10[%get3A_779] {strides = array<i32>} : memref<80xi32, #tpu.memory_space<vmem>>, vector<16xi32>,
      tpu.vector_store_idx %arg13[%get3A_780], %broadcast_in_dim3A_3 {add = true} : memref<10240xf32, #tpu.memory_space<vmem>>[vector<16xi32>], vector<16xf32>,
      %dma_wait3A_781 = arith.constant 0 : i32
      %dma_wait3A_782 = arith.constant 0 : i32
      %dma_wait3A_783 = tpu.memref_slice %arg2[%dma_wait3A_781, %dma_wait3A_782] : memref<10000x128xf32, #tpu.memory_space<hbm>> -> memref<10000x128xf32, #tpu.memory_space<hbm>>
      tpu.wait_indirect_dma semaphore(%arg15 : memref<!tpu.dma_semaphore, #tpu.memory_space<semaphore_mem>>) src(%dma_wait3A_783 : memref<10000x128xf32, #tpu.memory_space<hbm>>) dst(%arg11 : memref<80x128xf32, #tpu.memory_space<vmem>>)
      "tpu.region"() ({
        %run_scoped3A_813 = tpu.sem_alloc : memref<!tpu.dma_semaphore, #tpu.memory_space<semaphore_mem>>
        %dma_start3A_814 = arith.constant 0 : i32
        %dma_start3A_815 = arith.constant 0 : i32
        %dma_start3A_816 = tpu.memref_slice %arg14[%dma_start3A_814, %dma_start3A_815] : memref<10000x128xf32, #tpu.memory_space<vmem_shared>> -> memref<10000x128xf32, #tpu.memory_space<vmem_shared>>
        tpu.enqueue_indirect_dma source(%arg11 : memref<80x128xf32, #tpu.memory_space<vmem>>) target(%dma_start3A_816 : memref<10000x128xf32, #tpu.memory_space<vmem_shared>>) offsets(%arg8 : memref<80xi32, #tpu.memory_space<vmem>>) semaphore(%run_scoped3A_813 : memref<!tpu.dma_semaphore, #tpu.memory_space<semaphore_mem>>) {add = true}
        %dma_wait3A_817 = arith.constant 0 : i32
        %dma_wait3A_818 = arith.constant 0 : i32
        %dma_wait3A_819 = tpu.memref_slice %arg14[%dma_wait3A_817, %dma_wait3A_818] : memref<10000x128xf32, #tpu.memory_space<vmem_shared>> -> memref<10000x128xf32, #tpu.memory_space<vmem_shared>>
        tpu.wait_indirect_dma semaphore(%run_scoped3A_813 : memref<!tpu.dma_semaphore, #tpu.memory_space<semaphore_mem>>) src(%arg11 : memref<80x128xf32, #tpu.memory_space<vmem>>) dst(%dma_wait3A_819 : memref<10000x128xf32, #tpu.memory_space<vmem_shared>>)
        tpu.yield
      }) : () -> ()
      %add3A_784 = arith.constant 1 : i32
      %add3A_785 = arith.addi %add3A_756, %add3A_784 : i32
      %mul3A_786 = arith.constant 80 : i32
      %mul3A_787 = arith.muli %add3A_785, %mul3A_786 : i32
      %add3A_788 = arith.addi %mul3A_7, %mul3A_787 : i32
      %dma_start3A_789 = tpu.memref_slice %arg3[%add3A_788] : memref<320000xi32, #tpu.memory_space<hbm>> -> memref<80xi32, #tpu.memory_space<hbm>>
      %dma_start3A_790 = tpu.memref_slice %arg3[%add3A_788] : memref<320000xi32, #tpu.memory_space<hbm>> -> memref<80xi32, #tpu.memory_space<hbm>>
      tpu.enqueue_dma source(%dma_start3A_790 : memref<80xi32, #tpu.memory_space<hbm>>) target(%arg7 : memref<80xi32, #tpu.memory_space<vmem>>) target_semaphore(%arg17 : memref<!tpu.dma_semaphore, #tpu.memory_space<semaphore_mem>>)
      %dma_start3A_791 = tpu.memref_slice %arg4[%add3A_788] : memref<320000xi32, #tpu.memory_space<hbm>> -> memref<80xi32, #tpu.memory_space<hbm>>
      %dma_start3A_792 = tpu.memref_slice %arg4[%add3A_788] : memref<320000xi32, #tpu.memory_space<hbm>> -> memref<80xi32, #tpu.memory_space<hbm>>
      tpu.enqueue_dma source(%dma_start3A_792 : memref<80xi32, #tpu.memory_space<hbm>>) target(%arg8 : memref<80xi32, #tpu.memory_space<vmem>>) target_semaphore(%arg18 : memref<!tpu.dma_semaphore, #tpu.memory_space<semaphore_mem>>)
      %dma_wait3A_793 = tpu.memref_slice %arg3[%add3A_788] : memref<320000xi32, #tpu.memory_space<hbm>> -> memref<80xi32, #tpu.memory_space<hbm>>
      %dma_wait3A_794 = tpu.memref_slice %arg3[%add3A_788] : memref<320000xi32, #tpu.memory_space<hbm>> -> memref<80xi32, #tpu.memory_space<hbm>>
      tpu.wait_dma2 semaphore(%arg17 : memref<!tpu.dma_semaphore, #tpu.memory_space<semaphore_mem>>) src(%dma_wait3A_794 : memref<80xi32, #tpu.memory_space<hbm>>) dst(%arg7 : memref<80xi32, #tpu.memory_space<vmem>>)
      %dma_wait3A_795 = tpu.memref_slice %arg4[%add3A_788] : memref<320000xi32, #tpu.memory_space<hbm>> -> memref<80xi32, #tpu.memory_space<hbm>>
      %dma_wait3A_796 = tpu.memref_slice %arg4[%add3A_788] : memref<320000xi32, #tpu.memory_space<hbm>> -> memref<80xi32, #tpu.memory_space<hbm>>
      tpu.wait_dma2 semaphore(%arg18 : memref<!tpu.dma_semaphore, #tpu.memory_space<semaphore_mem>>) src(%dma_wait3A_796 : memref<80xi32, #tpu.memory_space<hbm>>) dst(%arg8 : memref<80xi32, #tpu.memory_space<vmem>>)
      %dma_start3A_797 = arith.constant 0 : i32
      %dma_start3A_798 = arith.constant 0 : i32
      %dma_start3A_799 = tpu.memref_slice %arg2[%dma_start3A_797, %dma_start3A_798] : memref<10000x128xf32, #tpu.memory_space<hbm>> -> memref<10000x128xf32, #tpu.memory_space<hbm>>
      tpu.enqueue_indirect_dma source(%dma_start3A_799 : memref<10000x128xf32, #tpu.memory_space<hbm>>) target(%arg11 : memref<80x128xf32, #tpu.memory_space<vmem>>) offsets(%arg7 : memref<80xi32, #tpu.memory_space<vmem>>) semaphore(%arg15 : memref<!tpu.dma_semaphore, #tpu.memory_space<semaphore_mem>>)
      %get3A_800 = arith.constant 0 : index
      %get3A_801 = tpu.vector_load %arg8[%get3A_800] {strides = array<i32>} : memref<80xi32, #tpu.memory_space<vmem>>, vector<16xi32>,
      tpu.vector_store_idx %arg13[%get3A_801], %broadcast_in_dim3A_3 {add = true} : memref<10240xf32, #tpu.memory_space<vmem>>[vector<16xi32>], vector<16xf32>,
      %get3A_802 = arith.constant 16 : index
      %get3A_803 = tpu.vector_load %arg8[%get3A_802] {strides = array<i32>} : memref<80xi32, #tpu.memory_space<vmem>>, vector<16xi32>,
      tpu.vector_store_idx %arg13[%get3A_803], %broadcast_in_dim3A_3 {add = true} : memref<10240xf32, #tpu.memory_space<vmem>>[vector<16xi32>], vector<16xf32>,
      %get3A_804 = arith.constant 32 : index
      %get3A_805 = tpu.vector_load %arg8[%get3A_804] {strides = array<i32>} : memref<80xi32, #tpu.memory_space<vmem>>, vector<16xi32>,
      tpu.vector_store_idx %arg13[%get3A_805], %broadcast_in_dim3A_3 {add = true} : memref<10240xf32, #tpu.memory_space<vmem>>[vector<16xi32>], vector<16xf32>,
      %get3A_806 = arith.constant 48 : index
      %get3A_807 = tpu.vector_load %arg8[%get3A_806] {strides = array<i32>} : memref<80xi32, #tpu.memory_space<vmem>>, vector<16xi32>,
      tpu.vector_store_idx %arg13[%get3A_807], %broadcast_in_dim3A_3 {add = true} : memref<10240xf32, #tpu.memory_space<vmem>>[vector<16xi32>], vector<16xf32>,
      %get3A_808 = arith.constant 64 : index
      %get3A_809 = tpu.vector_load %arg8[%get3A_808] {strides = array<i32>} : memref<80xi32, #tpu.memory_space<vmem>>, vector<16xi32>,
      tpu.vector_store_idx %arg13[%get3A_809], %broadcast_in_dim3A_3 {add = true} : memref<10240xf32, #tpu.memory_space<vmem>>[vector<16xi32>], vector<16xf32>,
      %dma_wait3A_810 = arith.constant 0 : i32
      %dma_wait3A_811 = arith.constant 0 : i32
      %dma_wait3A_812 = tpu.memref_slice %arg2[%dma_wait3A_810, %dma_wait3A_811] : memref<10000x128xf32, #tpu.memory_space<hbm>> -> memref<10000x128xf32, #tpu.memory_space<hbm>>
      tpu.wait_indirect_dma semaphore(%arg16 : memref<!tpu.dma_semaphore, #tpu.memory_space<semaphore_mem>>) src(%dma_wait3A_812 : memref<10000x128xf32, #tpu.memory_space<hbm>>) dst(%arg12 : memref<80x128xf32, #tpu.memory_space<vmem>>)
      "tpu.region"() ({
        %run_scoped3A_813 = tpu.sem_alloc : memref<!tpu.dma_semaphore, #tpu.memory_space<semaphore_mem>>
        %dma_start3A_814 = arith.constant 0 : i32
        %dma_start3A_815 = arith.constant 0 : i32
        %dma_start3A_816 = tpu.memref_slice %arg14[%dma_start3A_814, %dma_start3A_815] : memref<10000x128xf32, #tpu.memory_space<vmem_shared>> -> memref<10000x128xf32, #tpu.memory_space<vmem_shared>>
        tpu.enqueue_indirect_dma source(%arg12 : memref<80x128xf32, #tpu.memory_space<vmem>>) target(%dma_start3A_816 : memref<10000x128xf32, #tpu.memory_space<vmem_shared>>) offsets(%arg10 : memref<80xi32, #tpu.memory_space<vmem>>) semaphore(%run_scoped3A_813 : memref<!tpu.dma_semaphore, #tpu.memory_space<semaphore_mem>>) {add = true}
        %dma_wait3A_817 = arith.constant 0 : i32
        %dma_wait3A_818 = arith.constant 0 : i32
        %dma_wait3A_819 = tpu.memref_slice %arg14[%dma_wait3A_817, %dma_wait3A_818] : memref<10000x128xf32, #tpu.memory_space<vmem_shared>> -> memref<10000x128xf32, #tpu.memory_space<vmem_shared>>
        tpu.wait_indirect_dma semaphore(%run_scoped3A_813 : memref<!tpu.dma_semaphore, #tpu.memory_space<semaphore_mem>>) src(%arg12 : memref<80x128xf32, #tpu.memory_space<vmem>>) dst(%dma_wait3A_819 : memref<10000x128xf32, #tpu.memory_space<vmem_shared>>)
        tpu.yield
      }) : () -> ()
    }
    %scan3A_363 = arith.constant 62 : i32
    %dma_wait3A_364 = arith.constant 0 : i32
    %dma_wait3A_365 = arith.constant 0 : i32
    %dma_wait3A_366 = tpu.memref_slice %arg2[%dma_wait3A_364, %dma_wait3A_365] : memref<10000x128xf32, #tpu.memory_space<hbm>> -> memref<10000x128xf32, #tpu.memory_space<hbm>>
    tpu.wait_indirect_dma semaphore(%arg15 : memref<!tpu.dma_semaphore, #tpu.memory_space<semaphore_mem>>) src(%dma_wait3A_366 : memref<10000x128xf32, #tpu.memory_space<hbm>>) dst(%arg11 : memref<80x128xf32, #tpu.memory_space<vmem>>)
    "tpu.region"() ({
      %run_scoped3A_752 = tpu.sem_alloc : memref<!tpu.dma_semaphore, #tpu.memory_space<semaphore_mem>>
      %dma_start3A_753 = arith.constant 0 : i32
      %dma_start3A_754 = arith.constant 0 : i32
      %dma_start3A_755 = tpu.memref_slice %arg14[%dma_start3A_753, %dma_start3A_754] : memref<10000x128xf32, #tpu.memory_space<vmem_shared>> -> memref<10000x128xf32, #tpu.memory_space<vmem_shared>>
      tpu.enqueue_indirect_dma source(%arg11 : memref<80x128xf32, #tpu.memory_space<vmem>>) target(%dma_start3A_755 : memref<10000x128xf32, #tpu.memory_space<vmem_shared>>) offsets(%arg8 : memref<80xi32, #tpu.memory_space<vmem>>) semaphore(%run_scoped3A_752 : memref<!tpu.dma_semaphore, #tpu.memory_space<semaphore_mem>>) {add = true}
      %dma_wait3A_756 = arith.constant 0 : i32
      %dma_wait3A_757 = arith.constant 0 : i32
      %dma_wait3A_758 = tpu.memref_slice %arg14[%dma_wait3A_756, %dma_wait3A_757] : memref<10000x128xf32, #tpu.memory_space<vmem_shared>> -> memref<10000x128xf32, #tpu.memory_space<vmem_shared>>
      tpu.wait_indirect_dma semaphore(%run_scoped3A_752 : memref<!tpu.dma_semaphore, #tpu.memory_space<semaphore_mem>>) src(%arg11 : memref<80x128xf32, #tpu.memory_space<vmem>>) dst(%dma_wait3A_758 : memref<10000x128xf32, #tpu.memory_space<vmem_shared>>)
      tpu.yield
    }) : () -> ()
    %run_scoped3A = arith.constant 0 : i32
    "tpu.region"() ({
      %run_scoped3A_752 = tpu.sem_alloc : memref<!tpu.dma_semaphore, #tpu.memory_space<semaphore_mem>>
      %dma_start3A_753 = arith.constant 0 : i32
      %dma_start3A_754 = tpu.memref_slice %arg6[%add3A, %run_scoped3A, %dma_start3A_753] : memref<32x1x10240xf32, #tpu.memory_space<hbm>> -> memref<1x1x10240xf32, #tpu.memory_space<hbm>>
      %dma_start3A_755 = tpu.memref_squeeze %dma_start3A_754 : memref<1x1x10240xf32, #tpu.memory_space<hbm>> -> memref<10240xf32, #tpu.memory_space<hbm>>
      %dma_start3A_756 = arith.constant 0 : i32
      %dma_start3A_757 = tpu.memref_slice %arg6[%add3A, %run_scoped3A, %dma_start3A_756] : memref<32x1x10240xf32, #tpu.memory_space<hbm>> -> memref<1x1x10240xf32, #tpu.memory_space<hbm>>
      %dma_start3A_758 = tpu.memref_squeeze %dma_start3A_757 : memref<1x1x10240xf32, #tpu.memory_space<hbm>> -> memref<10240xf32, #tpu.memory_space<hbm>>
      tpu.enqueue_dma source(%arg13 : memref<10240xf32, #tpu.memory_space<vmem>>) target(%dma_start3A_758 : memref<10240xf32, #tpu.memory_space<hbm>>) target_semaphore(%run_scoped3A_752 : memref<!tpu.dma_semaphore, #tpu.memory_space<semaphore_mem>>)
      %dma_wait3A_759 = arith.constant 0 : i32
      %dma_wait3A_760 = tpu.memref_slice %arg6[%add3A, %run_scoped3A, %dma_wait3A_759] : memref<32x1x10240xf32, #tpu.memory_space<hbm>> -> memref<1x1x10240xf32, #tpu.memory_space<hbm>>
      %dma_wait3A_761 = tpu.memref_squeeze %dma_wait3A_760 : memref<1x1x10240xf32, #tpu.memory_space<hbm>> -> memref<10240xf32, #tpu.memory_space<hbm>>
      %dma_wait3A_762 = arith.constant 0 : i32
      %dma_wait3A_763 = tpu.memref_slice %arg6[%add3A, %run_scoped3A, %dma_wait3A_762] : memref<32x1x10240xf32, #tpu.memory_space<hbm>> -> memref<1x1x10240xf32, #tpu.memory_space<hbm>>
      %dma_wait3A_764 = tpu.memref_squeeze %dma_wait3A_763 : memref<1x1x10240xf32, #tpu.memory_space<hbm>> -> memref<10240xf32, #tpu.memory_space<hbm>>
      tpu.wait_dma2 semaphore(%run_scoped3A_752 : memref<!tpu.dma_semaphore, #tpu.memory_space<semaphore_mem>>) src(%arg13 : memref<10240xf32, #tpu.memory_space<vmem>>) dst(%dma_wait3A_764 : memref<10240xf32, #tpu.memory_space<hbm>>)
      tpu.yield
    }) : () -> ()
    %barrier3A_367 = arith.constant 0 : index
    tpu.barrier barrier_id(%barrier3A_367)
    %add3A_368 = arith.constant 0 : i32
    %add3A_369 = arith.addi %mul3A_5, %add3A_368 : i32
    %add3A_370 = arith.constant 0 : i32
    %add3A_371 = arith.addi %add3A_369, %add3A_370 : i32
    %add3A_372 = vector.broadcast %add3A_371 : i32 to vector<16xi32>
    %add3A_373 = arith.addi %add3A_372, %iota3A : vector<16xi32>
    %swap3A_374 = arith.constant 0 : index
    %swap3A_375 = tpu.vector_load %arg7[%swap3A_374] {strides = array<i32>} : memref<80xi32, #tpu.memory_space<vmem>>, vector<16xi32>,
    tpu.vector_store %arg7[%swap3A_374], %add3A_373 {strides = array<i32>} : memref<80xi32, #tpu.memory_space<vmem>>, vector<16xi32>,
    %add3A_376 = arith.constant 0 : i32
    %add3A_377 = arith.addi %mul3A_5, %add3A_376 : i32
    %add3A_378 = arith.constant 16 : i32
    %add3A_379 = arith.addi %add3A_377, %add3A_378 : i32
    %add3A_380 = vector.broadcast %add3A_379 : i32 to vector<16xi32>
    %add3A_381 = arith.addi %add3A_380, %iota3A : vector<16xi32>
    %swap3A_382 = arith.constant 16 : index
    %swap3A_383 = tpu.vector_load %arg7[%swap3A_382] {strides = array<i32>} : memref<80xi32, #tpu.memory_space<vmem>>, vector<16xi32>,
    tpu.vector_store %arg7[%swap3A_382], %add3A_381 {strides = array<i32>} : memref<80xi32, #tpu.memory_space<vmem>>, vector<16xi32>,
    %add3A_384 = arith.constant 0 : i32
    %add3A_385 = arith.addi %mul3A_5, %add3A_384 : i32
    %add3A_386 = arith.constant 32 : i32
    %add3A_387 = arith.addi %add3A_385, %add3A_386 : i32
    %add3A_388 = vector.broadcast %add3A_387 : i32 to vector<16xi32>
    %add3A_389 = arith.addi %add3A_388, %iota3A : vector<16xi32>
    %swap3A_390 = arith.constant 32 : index
    %swap3A_391 = tpu.vector_load %arg7[%swap3A_390] {strides = array<i32>} : memref<80xi32, #tpu.memory_space<vmem>>, vector<16xi32>,
    tpu.vector_store %arg7[%swap3A_390], %add3A_389 {strides = array<i32>} : memref<80xi32, #tpu.memory_space<vmem>>, vector<16xi32>,
    %add3A_392 = arith.constant 0 : i32
    %add3A_393 = arith.addi %mul3A_5, %add3A_392 : i32
    %add3A_394 = arith.constant 48 : i32
    %add3A_395 = arith.addi %add3A_393, %add3A_394 : i32
    %add3A_396 = vector.broadcast %add3A_395 : i32 to vector<16xi32>
    %add3A_397 = arith.addi %add3A_396, %iota3A : vector<16xi32>
    %swap3A_398 = arith.constant 48 : index
    %swap3A_399 = tpu.vector_load %arg7[%swap3A_398] {strides = array<i32>} : memref<80xi32, #tpu.memory_space<vmem>>, vector<16xi32>,
    tpu.vector_store %arg7[%swap3A_398], %add3A_397 {strides = array<i32>} : memref<80xi32, #tpu.memory_space<vmem>>, vector<16xi32>,
    %add3A_400 = arith.constant 0 : i32
    %add3A_401 = arith.addi %mul3A_5, %add3A_400 : i32
    %add3A_402 = arith.constant 64 : i32
    %add3A_403 = arith.addi %add3A_401, %add3A_402 : i32
    %add3A_404 = vector.broadcast %add3A_403 : i32 to vector<16xi32>
    %add3A_405 = arith.addi %add3A_404, %iota3A : vector<16xi32>
    %swap3A_406 = arith.constant 64 : index
    %swap3A_407 = tpu.vector_load %arg7[%swap3A_406] {strides = array<i32>} : memref<80xi32, #tpu.memory_space<vmem>>, vector<16xi32>,
    tpu.vector_store %arg7[%swap3A_406], %add3A_405 {strides = array<i32>} : memref<80xi32, #tpu.memory_space<vmem>>, vector<16xi32>,
    %dma_start3A_408 = arith.constant 0 : i32
    %dma_start3A_409 = arith.constant 0 : i32
    %dma_start3A_410 = tpu.memref_slice %arg14[%dma_start3A_408, %dma_start3A_409] : memref<10000x128xf32, #tpu.memory_space<vmem_shared>> -> memref<10000x128xf32, #tpu.memory_space<vmem_shared>>
    tpu.enqueue_indirect_dma source(%dma_start3A_410 : memref<10000x128xf32, #tpu.memory_space<vmem_shared>>) target(%arg11 : memref<80x128xf32, #tpu.memory_space<vmem>>) offsets(%arg7 : memref<80xi32, #tpu.memory_space<vmem>>) semaphore(%arg15 : memref<!tpu.dma_semaphore, #tpu.memory_space<semaphore_mem>>)
    %add3A_411 = arith.constant 80 : i32
    %add3A_412 = arith.addi %mul3A_5, %add3A_411 : i32
    %add3A_413 = arith.constant 0 : i32
    %add3A_414 = arith.addi %add3A_412, %add3A_413 : i32
    %add3A_415 = vector.broadcast %add3A_414 : i32 to vector<16xi32>
    %add3A_416 = arith.addi %add3A_415, %iota3A : vector<16xi32>
    %swap3A_417 = arith.constant 0 : index
    %swap3A_418 = tpu.vector_load %arg9[%swap3A_417] {strides = array<i32>} : memref<80xi32, #tpu.memory_space<vmem>>, vector<16xi32>,
    tpu.vector_store %arg9[%swap3A_417], %add3A_416 {strides = array<i32>} : memref<80xi32, #tpu.memory_space<vmem>>, vector<16xi32>,
    %add3A_419 = arith.constant 80 : i32
    %add3A_420 = arith.addi %mul3A_5, %add3A_419 : i32
    %add3A_421 = arith.constant 16 : i32
    %add3A_422 = arith.addi %add3A_420, %add3A_421 : i32
    %add3A_423 = vector.broadcast %add3A_422 : i32 to vector<16xi32>
    %add3A_424 = arith.addi %add3A_423, %iota3A : vector<16xi32>
    %swap3A_425 = arith.constant 16 : index
    %swap3A_426 = tpu.vector_load %arg9[%swap3A_425] {strides = array<i32>} : memref<80xi32, #tpu.memory_space<vmem>>, vector<16xi32>,
    tpu.vector_store %arg9[%swap3A_425], %add3A_424 {strides = array<i32>} : memref<80xi32, #tpu.memory_space<vmem>>, vector<16xi32>,
    %add3A_427 = arith.constant 80 : i32
    %add3A_428 = arith.addi %mul3A_5, %add3A_427 : i32
    %add3A_429 = arith.constant 32 : i32
    %add3A_430 = arith.addi %add3A_428, %add3A_429 : i32
    %add3A_431 = vector.broadcast %add3A_430 : i32 to vector<16xi32>
    %add3A_432 = arith.addi %add3A_431, %iota3A : vector<16xi32>
    %swap3A_433 = arith.constant 32 : index
    %swap3A_434 = tpu.vector_load %arg9[%swap3A_433] {strides = array<i32>} : memref<80xi32, #tpu.memory_space<vmem>>, vector<16xi32>,
    tpu.vector_store %arg9[%swap3A_433], %add3A_432 {strides = array<i32>} : memref<80xi32, #tpu.memory_space<vmem>>, vector<16xi32>,
    %add3A_435 = arith.constant 80 : i32
    %add3A_436 = arith.addi %mul3A_5, %add3A_435 : i32
    %add3A_437 = arith.constant 48 : i32
    %add3A_438 = arith.addi %add3A_436, %add3A_437 : i32
    %add3A_439 = vector.broadcast %add3A_438 : i32 to vector<16xi32>
    %add3A_440 = arith.addi %add3A_439, %iota3A : vector<16xi32>
    %swap3A_441 = arith.constant 48 : index
    %swap3A_442 = tpu.vector_load %arg9[%swap3A_441] {strides = array<i32>} : memref<80xi32, #tpu.memory_space<vmem>>, vector<16xi32>,
    tpu.vector_store %arg9[%swap3A_441], %add3A_440 {strides = array<i32>} : memref<80xi32, #tpu.memory_space<vmem>>, vector<16xi32>,
    %add3A_443 = arith.constant 80 : i32
    %add3A_444 = arith.addi %mul3A_5, %add3A_443 : i32
    %add3A_445 = arith.constant 64 : i32
    %add3A_446 = arith.addi %add3A_444, %add3A_445 : i32
    %add3A_447 = vector.broadcast %add3A_446 : i32 to vector<16xi32>
    %add3A_448 = arith.addi %add3A_447, %iota3A : vector<16xi32>
    %swap3A_449 = arith.constant 64 : index
    %swap3A_450 = tpu.vector_load %arg9[%swap3A_449] {strides = array<i32>} : memref<80xi32, #tpu.memory_space<vmem>>, vector<16xi32>,
    tpu.vector_store %arg9[%swap3A_449], %add3A_448 {strides = array<i32>} : memref<80xi32, #tpu.memory_space<vmem>>, vector<16xi32>,
    %dma_start3A_451 = arith.constant 0 : i32
    %dma_start3A_452 = arith.constant 0 : i32
    %dma_start3A_453 = tpu.memref_slice %arg14[%dma_start3A_451, %dma_start3A_452] : memref<10000x128xf32, #tpu.memory_space<vmem_shared>> -> memref<10000x128xf32, #tpu.memory_space<vmem_shared>>
    tpu.enqueue_indirect_dma source(%dma_start3A_453 : memref<10000x128xf32, #tpu.memory_space<vmem_shared>>) target(%arg12 : memref<80x128xf32, #tpu.memory_space<vmem>>) offsets(%arg9 : memref<80xi32, #tpu.memory_space<vmem>>) semaphore(%arg16 : memref<!tpu.dma_semaphore, #tpu.memory_space<semaphore_mem>>)
    %dma_wait3A_454 = arith.constant 0 : i32
    %dma_wait3A_455 = arith.constant 0 : i32
    %dma_wait3A_456 = tpu.memref_slice %arg14[%dma_wait3A_454, %dma_wait3A_455] : memref<10000x128xf32, #tpu.memory_space<vmem_shared>> -> memref<10000x128xf32, #tpu.memory_space<vmem_shared>>
    tpu.wait_indirect_dma semaphore(%arg15 : memref<!tpu.dma_semaphore, #tpu.memory_space<semaphore_mem>>) src(%dma_wait3A_456 : memref<10000x128xf32, #tpu.memory_space<vmem_shared>>) dst(%arg11 : memref<80x128xf32, #tpu.memory_space<vmem>>)
    %add3A_457 = arith.constant 0 : i32
    %add3A_458 = arith.addi %mul3A_5, %add3A_457 : i32
    "tpu.region"() ({
      %run_scoped3A_752 = tpu.sem_alloc : memref<!tpu.dma_semaphore, #tpu.memory_space<semaphore_mem>>
      %dma_start3A_753 = arith.constant 0 : i32
      %dma_start3A_754 = tpu.memref_slice %arg5[%arg0, %add3A_458, %dma_start3A_753] : memref<2x10000x128xf32, #tpu.memory_space<hbm>> -> memref<1x80x128xf32, #tpu.memory_space<hbm>>
      %dma_start3A_755 = tpu.memref_squeeze %dma_start3A_754 : memref<1x80x128xf32, #tpu.memory_space<hbm>> -> memref<80x128xf32, #tpu.memory_space<hbm>>
      %dma_start3A_756 = arith.constant 0 : i32
      %dma_start3A_757 = tpu.memref_slice %arg5[%arg0, %add3A_458, %dma_start3A_756] : memref<2x10000x128xf32, #tpu.memory_space<hbm>> -> memref<1x80x128xf32, #tpu.memory_space<hbm>>
      %dma_start3A_758 = tpu.memref_squeeze %dma_start3A_757 : memref<1x80x128xf32, #tpu.memory_space<hbm>> -> memref<80x128xf32, #tpu.memory_space<hbm>>
      tpu.enqueue_dma source(%arg11 : memref<80x128xf32, #tpu.memory_space<vmem>>) target(%dma_start3A_758 : memref<80x128xf32, #tpu.memory_space<hbm>>) target_semaphore(%run_scoped3A_752 : memref<!tpu.dma_semaphore, #tpu.memory_space<semaphore_mem>>)
      %dma_wait3A_759 = arith.constant 0 : i32
      %dma_wait3A_760 = tpu.memref_slice %arg5[%arg0, %add3A_458, %dma_wait3A_759] : memref<2x10000x128xf32, #tpu.memory_space<hbm>> -> memref<1x80x128xf32, #tpu.memory_space<hbm>>
      %dma_wait3A_761 = tpu.memref_squeeze %dma_wait3A_760 : memref<1x80x128xf32, #tpu.memory_space<hbm>> -> memref<80x128xf32, #tpu.memory_space<hbm>>
      %dma_wait3A_762 = arith.constant 0 : i32
      %dma_wait3A_763 = tpu.memref_slice %arg5[%arg0, %add3A_458, %dma_wait3A_762] : memref<2x10000x128xf32, #tpu.memory_space<hbm>> -> memref<1x80x128xf32, #tpu.memory_space<hbm>>
      %dma_wait3A_764 = tpu.memref_squeeze %dma_wait3A_763 : memref<1x80x128xf32, #tpu.memory_space<hbm>> -> memref<80x128xf32, #tpu.memory_space<hbm>>
      tpu.wait_dma2 semaphore(%run_scoped3A_752 : memref<!tpu.dma_semaphore, #tpu.memory_space<semaphore_mem>>) src(%arg11 : memref<80x128xf32, #tpu.memory_space<vmem>>) dst(%dma_wait3A_764 : memref<80x128xf32, #tpu.memory_space<hbm>>)
      tpu.yield
    }) : () -> ()
    %add3A_459 = arith.constant 160 : i32
    %add3A_460 = arith.addi %mul3A_5, %add3A_459 : i32
    %add3A_461 = arith.constant 0 : i32
    %add3A_462 = arith.addi %add3A_460, %add3A_461 : i32
    %add3A_463 = vector.broadcast %add3A_462 : i32 to vector<16xi32>
    %add3A_464 = arith.addi %add3A_463, %iota3A : vector<16xi32>
    %swap3A_465 = arith.constant 0 : index
    %swap3A_466 = tpu.vector_load %arg7[%swap3A_465] {strides = array<i32>} : memref<80xi32, #tpu.memory_space<vmem>>, vector<16xi32>,
    tpu.vector_store %arg7[%swap3A_465], %add3A_464 {strides = array<i32>} : memref<80xi32, #tpu.memory_space<vmem>>, vector<16xi32>,
    %add3A_467 = arith.constant 160 : i32
    %add3A_468 = arith.addi %mul3A_5, %add3A_467 : i32
    %add3A_469 = arith.constant 16 : i32
    %add3A_470 = arith.addi %add3A_468, %add3A_469 : i32
    %add3A_471 = vector.broadcast %add3A_470 : i32 to vector<16xi32>
    %add3A_472 = arith.addi %add3A_471, %iota3A : vector<16xi32>
    %swap3A_473 = arith.constant 16 : index
    %swap3A_474 = tpu.vector_load %arg7[%swap3A_473] {strides = array<i32>} : memref<80xi32, #tpu.memory_space<vmem>>, vector<16xi32>,
    tpu.vector_store %arg7[%swap3A_473], %add3A_472 {strides = array<i32>} : memref<80xi32, #tpu.memory_space<vmem>>, vector<16xi32>,
    %add3A_475 = arith.constant 160 : i32
    %add3A_476 = arith.addi %mul3A_5, %add3A_475 : i32
    %add3A_477 = arith.constant 32 : i32
    %add3A_478 = arith.addi %add3A_476, %add3A_477 : i32
    %add3A_479 = vector.broadcast %add3A_478 : i32 to vector<16xi32>
    %add3A_480 = arith.addi %add3A_479, %iota3A : vector<16xi32>
    %swap3A_481 = arith.constant 32 : index
    %swap3A_482 = tpu.vector_load %arg7[%swap3A_481] {strides = array<i32>} : memref<80xi32, #tpu.memory_space<vmem>>, vector<16xi32>,
    tpu.vector_store %arg7[%swap3A_481], %add3A_480 {strides = array<i32>} : memref<80xi32, #tpu.memory_space<vmem>>, vector<16xi32>,
    %add3A_483 = arith.constant 160 : i32
    %add3A_484 = arith.addi %mul3A_5, %add3A_483 : i32
    %add3A_485 = arith.constant 48 : i32
    %add3A_486 = arith.addi %add3A_484, %add3A_485 : i32
    %add3A_487 = vector.broadcast %add3A_486 : i32 to vector<16xi32>
    %add3A_488 = arith.addi %add3A_487, %iota3A : vector<16xi32>
    %swap3A_489 = arith.constant 48 : index
    %swap3A_490 = tpu.vector_load %arg7[%swap3A_489] {strides = array<i32>} : memref<80xi32, #tpu.memory_space<vmem>>, vector<16xi32>,
    tpu.vector_store %arg7[%swap3A_489], %add3A_488 {strides = array<i32>} : memref<80xi32, #tpu.memory_space<vmem>>, vector<16xi32>,
    %add3A_491 = arith.constant 160 : i32
    %add3A_492 = arith.addi %mul3A_5, %add3A_491 : i32
    %add3A_493 = arith.constant 64 : i32
    %add3A_494 = arith.addi %add3A_492, %add3A_493 : i32
    %add3A_495 = vector.broadcast %add3A_494 : i32 to vector<16xi32>
    %add3A_496 = arith.addi %add3A_495, %iota3A : vector<16xi32>
    %swap3A_497 = arith.constant 64 : index
    %swap3A_498 = tpu.vector_load %arg7[%swap3A_497] {strides = array<i32>} : memref<80xi32, #tpu.memory_space<vmem>>, vector<16xi32>,
    tpu.vector_store %arg7[%swap3A_497], %add3A_496 {strides = array<i32>} : memref<80xi32, #tpu.memory_space<vmem>>, vector<16xi32>,
    %dma_start3A_499 = arith.constant 0 : i32
    %dma_start3A_500 = arith.constant 0 : i32
    %dma_start3A_501 = tpu.memref_slice %arg14[%dma_start3A_499, %dma_start3A_500] : memref<10000x128xf32, #tpu.memory_space<vmem_shared>> -> memref<10000x128xf32, #tpu.memory_space<vmem_shared>>
    tpu.enqueue_indirect_dma source(%dma_start3A_501 : memref<10000x128xf32, #tpu.memory_space<vmem_shared>>) target(%arg11 : memref<80x128xf32, #tpu.memory_space<vmem>>) offsets(%arg7 : memref<80xi32, #tpu.memory_space<vmem>>) semaphore(%arg15 : memref<!tpu.dma_semaphore, #tpu.memory_space<semaphore_mem>>)
    %dma_wait3A_502 = arith.constant 0 : i32
    %dma_wait3A_503 = arith.constant 0 : i32
    %dma_wait3A_504 = tpu.memref_slice %arg14[%dma_wait3A_502, %dma_wait3A_503] : memref<10000x128xf32, #tpu.memory_space<vmem_shared>> -> memref<10000x128xf32, #tpu.memory_space<vmem_shared>>
    tpu.wait_indirect_dma semaphore(%arg16 : memref<!tpu.dma_semaphore, #tpu.memory_space<semaphore_mem>>) src(%dma_wait3A_504 : memref<10000x128xf32, #tpu.memory_space<vmem_shared>>) dst(%arg12 : memref<80x128xf32, #tpu.memory_space<vmem>>)
    %add3A_505 = arith.constant 80 : i32
    %add3A_506 = arith.addi %mul3A_5, %add3A_505 : i32
    "tpu.region"() ({
      %run_scoped3A_752 = tpu.sem_alloc : memref<!tpu.dma_semaphore, #tpu.memory_space<semaphore_mem>>
      %dma_start3A_753 = arith.constant 0 : i32
      %dma_start3A_754 = tpu.memref_slice %arg5[%arg0, %add3A_506, %dma_start3A_753] : memref<2x10000x128xf32, #tpu.memory_space<hbm>> -> memref<1x80x128xf32, #tpu.memory_space<hbm>>
      %dma_start3A_755 = tpu.memref_squeeze %dma_start3A_754 : memref<1x80x128xf32, #tpu.memory_space<hbm>> -> memref<80x128xf32, #tpu.memory_space<hbm>>
      %dma_start3A_756 = arith.constant 0 : i32
      %dma_start3A_757 = tpu.memref_slice %arg5[%arg0, %add3A_506, %dma_start3A_756] : memref<2x10000x128xf32, #tpu.memory_space<hbm>> -> memref<1x80x128xf32, #tpu.memory_space<hbm>>
      %dma_start3A_758 = tpu.memref_squeeze %dma_start3A_757 : memref<1x80x128xf32, #tpu.memory_space<hbm>> -> memref<80x128xf32, #tpu.memory_space<hbm>>
      tpu.enqueue_dma source(%arg12 : memref<80x128xf32, #tpu.memory_space<vmem>>) target(%dma_start3A_758 : memref<80x128xf32, #tpu.memory_space<hbm>>) target_semaphore(%run_scoped3A_752 : memref<!tpu.dma_semaphore, #tpu.memory_space<semaphore_mem>>)
      %dma_wait3A_759 = arith.constant 0 : i32
      %dma_wait3A_760 = tpu.memref_slice %arg5[%arg0, %add3A_506, %dma_wait3A_759] : memref<2x10000x128xf32, #tpu.memory_space<hbm>> -> memref<1x80x128xf32, #tpu.memory_space<hbm>>
      %dma_wait3A_761 = tpu.memref_squeeze %dma_wait3A_760 : memref<1x80x128xf32, #tpu.memory_space<hbm>> -> memref<80x128xf32, #tpu.memory_space<hbm>>
      %dma_wait3A_762 = arith.constant 0 : i32
      %dma_wait3A_763 = tpu.memref_slice %arg5[%arg0, %add3A_506, %dma_wait3A_762] : memref<2x10000x128xf32, #tpu.memory_space<hbm>> -> memref<1x80x128xf32, #tpu.memory_space<hbm>>
      %dma_wait3A_764 = tpu.memref_squeeze %dma_wait3A_763 : memref<1x80x128xf32, #tpu.memory_space<hbm>> -> memref<80x128xf32, #tpu.memory_space<hbm>>
      tpu.wait_dma2 semaphore(%run_scoped3A_752 : memref<!tpu.dma_semaphore, #tpu.memory_space<semaphore_mem>>) src(%arg12 : memref<80x128xf32, #tpu.memory_space<vmem>>) dst(%dma_wait3A_764 : memref<80x128xf32, #tpu.memory_space<hbm>>)
      tpu.yield
    }) : () -> ()
    %add3A_507 = arith.constant 240 : i32
    %add3A_508 = arith.addi %mul3A_5, %add3A_507 : i32
    %add3A_509 = arith.constant 0 : i32
    %add3A_510 = arith.addi %add3A_508, %add3A_509 : i32
    %add3A_511 = vector.broadcast %add3A_510 : i32 to vector<16xi32>
    %add3A_512 = arith.addi %add3A_511, %iota3A : vector<16xi32>
    %swap3A_513 = arith.constant 0 : index
    %swap3A_514 = tpu.vector_load %arg9[%swap3A_513] {strides = array<i32>} : memref<80xi32, #tpu.memory_space<vmem>>, vector<16xi32>,
    tpu.vector_store %arg9[%swap3A_513], %add3A_512 {strides = array<i32>} : memref<80xi32, #tpu.memory_space<vmem>>, vector<16xi32>,
    %add3A_515 = arith.constant 240 : i32
    %add3A_516 = arith.addi %mul3A_5, %add3A_515 : i32
    %add3A_517 = arith.constant 16 : i32
    %add3A_518 = arith.addi %add3A_516, %add3A_517 : i32
    %add3A_519 = vector.broadcast %add3A_518 : i32 to vector<16xi32>
    %add3A_520 = arith.addi %add3A_519, %iota3A : vector<16xi32>
    %swap3A_521 = arith.constant 16 : index
    %swap3A_522 = tpu.vector_load %arg9[%swap3A_521] {strides = array<i32>} : memref<80xi32, #tpu.memory_space<vmem>>, vector<16xi32>,
    tpu.vector_store %arg9[%swap3A_521], %add3A_520 {strides = array<i32>} : memref<80xi32, #tpu.memory_space<vmem>>, vector<16xi32>,
    %add3A_523 = arith.constant 240 : i32
    %add3A_524 = arith.addi %mul3A_5, %add3A_523 : i32
    %add3A_525 = arith.constant 32 : i32
    %add3A_526 = arith.addi %add3A_524, %add3A_525 : i32
    %add3A_527 = vector.broadcast %add3A_526 : i32 to vector<16xi32>
    %add3A_528 = arith.addi %add3A_527, %iota3A : vector<16xi32>
    %swap3A_529 = arith.constant 32 : index
    %swap3A_530 = tpu.vector_load %arg9[%swap3A_529] {strides = array<i32>} : memref<80xi32, #tpu.memory_space<vmem>>, vector<16xi32>,
    tpu.vector_store %arg9[%swap3A_529], %add3A_528 {strides = array<i32>} : memref<80xi32, #tpu.memory_space<vmem>>, vector<16xi32>,
    %add3A_531 = arith.constant 240 : i32
    %add3A_532 = arith.addi %mul3A_5, %add3A_531 : i32
    %add3A_533 = arith.constant 48 : i32
    %add3A_534 = arith.addi %add3A_532, %add3A_533 : i32
    %add3A_535 = vector.broadcast %add3A_534 : i32 to vector<16xi32>
    %add3A_536 = arith.addi %add3A_535, %iota3A : vector<16xi32>
    %swap3A_537 = arith.constant 48 : index
    %swap3A_538 = tpu.vector_load %arg9[%swap3A_537] {strides = array<i32>} : memref<80xi32, #tpu.memory_space<vmem>>, vector<16xi32>,
    tpu.vector_store %arg9[%swap3A_537], %add3A_536 {strides = array<i32>} : memref<80xi32, #tpu.memory_space<vmem>>, vector<16xi32>,
    %add3A_539 = arith.constant 240 : i32
    %add3A_540 = arith.addi %mul3A_5, %add3A_539 : i32
    %add3A_541 = arith.constant 64 : i32
    %add3A_542 = arith.addi %add3A_540, %add3A_541 : i32
    %add3A_543 = vector.broadcast %add3A_542 : i32 to vector<16xi32>
    %add3A_544 = arith.addi %add3A_543, %iota3A : vector<16xi32>
    %swap3A_545 = arith.constant 64 : index
    %swap3A_546 = tpu.vector_load %arg9[%swap3A_545] {strides = array<i32>} : memref<80xi32, #tpu.memory_space<vmem>>, vector<16xi32>,
    tpu.vector_store %arg9[%swap3A_545], %add3A_544 {strides = array<i32>} : memref<80xi32, #tpu.memory_space<vmem>>, vector<16xi32>,
    %dma_start3A_547 = arith.constant 0 : i32
    %dma_start3A_548 = arith.constant 0 : i32
    %dma_start3A_549 = tpu.memref_slice %arg14[%dma_start3A_547, %dma_start3A_548] : memref<10000x128xf32, #tpu.memory_space<vmem_shared>> -> memref<10000x128xf32, #tpu.memory_space<vmem_shared>>
    tpu.enqueue_indirect_dma source(%dma_start3A_549 : memref<10000x128xf32, #tpu.memory_space<vmem_shared>>) target(%arg12 : memref<80x128xf32, #tpu.memory_space<vmem>>) offsets(%arg9 : memref<80xi32, #tpu.memory_space<vmem>>) semaphore(%arg16 : memref<!tpu.dma_semaphore, #tpu.memory_space<semaphore_mem>>)
    %dma_wait3A_550 = arith.constant 0 : i32
    %dma_wait3A_551 = arith.constant 0 : i32
    %dma_wait3A_552 = tpu.memref_slice %arg14[%dma_wait3A_550, %dma_wait3A_551] : memref<10000x128xf32, #tpu.memory_space<vmem_shared>> -> memref<10000x128xf32, #tpu.memory_space<vmem_shared>>
    tpu.wait_indirect_dma semaphore(%arg15 : memref<!tpu.dma_semaphore, #tpu.memory_space<semaphore_mem>>) src(%dma_wait3A_552 : memref<10000x128xf32, #tpu.memory_space<vmem_shared>>) dst(%arg11 : memref<80x128xf32, #tpu.memory_space<vmem>>)
    %add3A_553 = arith.constant 160 : i32
    %add3A_554 = arith.addi %mul3A_5, %add3A_553 : i32
    "tpu.region"() ({
      %run_scoped3A_752 = tpu.sem_alloc : memref<!tpu.dma_semaphore, #tpu.memory_space<semaphore_mem>>
      %dma_start3A_753 = arith.constant 0 : i32
      %dma_start3A_754 = tpu.memref_slice %arg5[%arg0, %add3A_554, %dma_start3A_753] : memref<2x10000x128xf32, #tpu.memory_space<hbm>> -> memref<1x80x128xf32, #tpu.memory_space<hbm>>
      %dma_start3A_755 = tpu.memref_squeeze %dma_start3A_754 : memref<1x80x128xf32, #tpu.memory_space<hbm>> -> memref<80x128xf32, #tpu.memory_space<hbm>>
      %dma_start3A_756 = arith.constant 0 : i32
      %dma_start3A_757 = tpu.memref_slice %arg5[%arg0, %add3A_554, %dma_start3A_756] : memref<2x10000x128xf32, #tpu.memory_space<hbm>> -> memref<1x80x128xf32, #tpu.memory_space<hbm>>
      %dma_start3A_758 = tpu.memref_squeeze %dma_start3A_757 : memref<1x80x128xf32, #tpu.memory_space<hbm>> -> memref<80x128xf32, #tpu.memory_space<hbm>>
      tpu.enqueue_dma source(%arg11 : memref<80x128xf32, #tpu.memory_space<vmem>>) target(%dma_start3A_758 : memref<80x128xf32, #tpu.memory_space<hbm>>) target_semaphore(%run_scoped3A_752 : memref<!tpu.dma_semaphore, #tpu.memory_space<semaphore_mem>>)
      %dma_wait3A_759 = arith.constant 0 : i32
      %dma_wait3A_760 = tpu.memref_slice %arg5[%arg0, %add3A_554, %dma_wait3A_759] : memref<2x10000x128xf32, #tpu.memory_space<hbm>> -> memref<1x80x128xf32, #tpu.memory_space<hbm>>
      %dma_wait3A_761 = tpu.memref_squeeze %dma_wait3A_760 : memref<1x80x128xf32, #tpu.memory_space<hbm>> -> memref<80x128xf32, #tpu.memory_space<hbm>>
      %dma_wait3A_762 = arith.constant 0 : i32
      %dma_wait3A_763 = tpu.memref_slice %arg5[%arg0, %add3A_554, %dma_wait3A_762] : memref<2x10000x128xf32, #tpu.memory_space<hbm>> -> memref<1x80x128xf32, #tpu.memory_space<hbm>>
      %dma_wait3A_764 = tpu.memref_squeeze %dma_wait3A_763 : memref<1x80x128xf32, #tpu.memory_space<hbm>> -> memref<80x128xf32, #tpu.memory_space<hbm>>
      tpu.wait_dma2 semaphore(%run_scoped3A_752 : memref<!tpu.dma_semaphore, #tpu.memory_space<semaphore_mem>>) src(%arg11 : memref<80x128xf32, #tpu.memory_space<vmem>>) dst(%dma_wait3A_764 : memref<80x128xf32, #tpu.memory_space<hbm>>)
      tpu.yield
    }) : () -> ()
    %add3A_555 = arith.constant 320 : i32
    %add3A_556 = arith.addi %mul3A_5, %add3A_555 : i32
    %add3A_557 = arith.constant 0 : i32
    %add3A_558 = arith.addi %add3A_556, %add3A_557 : i32
    %add3A_559 = vector.broadcast %add3A_558 : i32 to vector<16xi32>
    %add3A_560 = arith.addi %add3A_559, %iota3A : vector<16xi32>
    %swap3A_561 = arith.constant 0 : index
    %swap3A_562 = tpu.vector_load %arg7[%swap3A_561] {strides = array<i32>} : memref<80xi32, #tpu.memory_space<vmem>>, vector<16xi32>,
    tpu.vector_store %arg7[%swap3A_561], %add3A_560 {strides = array<i32>} : memref<80xi32, #tpu.memory_space<vmem>>, vector<16xi32>,
    %add3A_563 = arith.constant 320 : i32
    %add3A_564 = arith.addi %mul3A_5, %add3A_563 : i32
    %add3A_565 = arith.constant 16 : i32
    %add3A_566 = arith.addi %add3A_564, %add3A_565 : i32
    %add3A_567 = vector.broadcast %add3A_566 : i32 to vector<16xi32>
    %add3A_568 = arith.addi %add3A_567, %iota3A : vector<16xi32>
    %swap3A_569 = arith.constant 16 : index
    %swap3A_570 = tpu.vector_load %arg7[%swap3A_569] {strides = array<i32>} : memref<80xi32, #tpu.memory_space<vmem>>, vector<16xi32>,
    tpu.vector_store %arg7[%swap3A_569], %add3A_568 {strides = array<i32>} : memref<80xi32, #tpu.memory_space<vmem>>, vector<16xi32>,
    %add3A_571 = arith.constant 320 : i32
    %add3A_572 = arith.addi %mul3A_5, %add3A_571 : i32
    %add3A_573 = arith.constant 32 : i32
    %add3A_574 = arith.addi %add3A_572, %add3A_573 : i32
    %add3A_575 = vector.broadcast %add3A_574 : i32 to vector<16xi32>
    %add3A_576 = arith.addi %add3A_575, %iota3A : vector<16xi32>
    %swap3A_577 = arith.constant 32 : index
    %swap3A_578 = tpu.vector_load %arg7[%swap3A_577] {strides = array<i32>} : memref<80xi32, #tpu.memory_space<vmem>>, vector<16xi32>,
    tpu.vector_store %arg7[%swap3A_577], %add3A_576 {strides = array<i32>} : memref<80xi32, #tpu.memory_space<vmem>>, vector<16xi32>,
    %add3A_579 = arith.constant 320 : i32
    %add3A_580 = arith.addi %mul3A_5, %add3A_579 : i32
    %add3A_581 = arith.constant 48 : i32
    %add3A_582 = arith.addi %add3A_580, %add3A_581 : i32
    %add3A_583 = vector.broadcast %add3A_582 : i32 to vector<16xi32>
    %add3A_584 = arith.addi %add3A_583, %iota3A : vector<16xi32>
    %swap3A_585 = arith.constant 48 : index
    %swap3A_586 = tpu.vector_load %arg7[%swap3A_585] {strides = array<i32>} : memref<80xi32, #tpu.memory_space<vmem>>, vector<16xi32>,
    tpu.vector_store %arg7[%swap3A_585], %add3A_584 {strides = array<i32>} : memref<80xi32, #tpu.memory_space<vmem>>, vector<16xi32>,
    %add3A_587 = arith.constant 320 : i32
    %add3A_588 = arith.addi %mul3A_5, %add3A_587 : i32
    %add3A_589 = arith.constant 64 : i32
    %add3A_590 = arith.addi %add3A_588, %add3A_589 : i32
    %add3A_591 = vector.broadcast %add3A_590 : i32 to vector<16xi32>
    %add3A_592 = arith.addi %add3A_591, %iota3A : vector<16xi32>
    %swap3A_593 = arith.constant 64 : index
    %swap3A_594 = tpu.vector_load %arg7[%swap3A_593] {strides = array<i32>} : memref<80xi32, #tpu.memory_space<vmem>>, vector<16xi32>,
    tpu.vector_store %arg7[%swap3A_593], %add3A_592 {strides = array<i32>} : memref<80xi32, #tpu.memory_space<vmem>>, vector<16xi32>,
    %dma_start3A_595 = arith.constant 0 : i32
    %dma_start3A_596 = arith.constant 0 : i32
    %dma_start3A_597 = tpu.memref_slice %arg14[%dma_start3A_595, %dma_start3A_596] : memref<10000x128xf32, #tpu.memory_space<vmem_shared>> -> memref<10000x128xf32, #tpu.memory_space<vmem_shared>>
    tpu.enqueue_indirect_dma source(%dma_start3A_597 : memref<10000x128xf32, #tpu.memory_space<vmem_shared>>) target(%arg11 : memref<80x128xf32, #tpu.memory_space<vmem>>) offsets(%arg7 : memref<80xi32, #tpu.memory_space<vmem>>) semaphore(%arg15 : memref<!tpu.dma_semaphore, #tpu.memory_space<semaphore_mem>>)
    %dma_wait3A_598 = arith.constant 0 : i32
    %dma_wait3A_599 = arith.constant 0 : i32
    %dma_wait3A_600 = tpu.memref_slice %arg14[%dma_wait3A_598, %dma_wait3A_599] : memref<10000x128xf32, #tpu.memory_space<vmem_shared>> -> memref<10000x128xf32, #tpu.memory_space<vmem_shared>>
    tpu.wait_indirect_dma semaphore(%arg16 : memref<!tpu.dma_semaphore, #tpu.memory_space<semaphore_mem>>) src(%dma_wait3A_600 : memref<10000x128xf32, #tpu.memory_space<vmem_shared>>) dst(%arg12 : memref<80x128xf32, #tpu.memory_space<vmem>>)
    %add3A_601 = arith.constant 240 : i32
    %add3A_602 = arith.addi %mul3A_5, %add3A_601 : i32
    "tpu.region"() ({
      %run_scoped3A_752 = tpu.sem_alloc : memref<!tpu.dma_semaphore, #tpu.memory_space<semaphore_mem>>
      %dma_start3A_753 = arith.constant 0 : i32
      %dma_start3A_754 = tpu.memref_slice %arg5[%arg0, %add3A_602, %dma_start3A_753] : memref<2x10000x128xf32, #tpu.memory_space<hbm>> -> memref<1x80x128xf32, #tpu.memory_space<hbm>>
      %dma_start3A_755 = tpu.memref_squeeze %dma_start3A_754 : memref<1x80x128xf32, #tpu.memory_space<hbm>> -> memref<80x128xf32, #tpu.memory_space<hbm>>
      %dma_start3A_756 = arith.constant 0 : i32
      %dma_start3A_757 = tpu.memref_slice %arg5[%arg0, %add3A_602, %dma_start3A_756] : memref<2x10000x128xf32, #tpu.memory_space<hbm>> -> memref<1x80x128xf32, #tpu.memory_space<hbm>>
      %dma_start3A_758 = tpu.memref_squeeze %dma_start3A_757 : memref<1x80x128xf32, #tpu.memory_space<hbm>> -> memref<80x128xf32, #tpu.memory_space<hbm>>
      tpu.enqueue_dma source(%arg12 : memref<80x128xf32, #tpu.memory_space<vmem>>) target(%dma_start3A_758 : memref<80x128xf32, #tpu.memory_space<hbm>>) target_semaphore(%run_scoped3A_752 : memref<!tpu.dma_semaphore, #tpu.memory_space<semaphore_mem>>)
      %dma_wait3A_759 = arith.constant 0 : i32
      %dma_wait3A_760 = tpu.memref_slice %arg5[%arg0, %add3A_602, %dma_wait3A_759] : memref<2x10000x128xf32, #tpu.memory_space<hbm>> -> memref<1x80x128xf32, #tpu.memory_space<hbm>>
      %dma_wait3A_761 = tpu.memref_squeeze %dma_wait3A_760 : memref<1x80x128xf32, #tpu.memory_space<hbm>> -> memref<80x128xf32, #tpu.memory_space<hbm>>
      %dma_wait3A_762 = arith.constant 0 : i32
      %dma_wait3A_763 = tpu.memref_slice %arg5[%arg0, %add3A_602, %dma_wait3A_762] : memref<2x10000x128xf32, #tpu.memory_space<hbm>> -> memref<1x80x128xf32, #tpu.memory_space<hbm>>
      %dma_wait3A_764 = tpu.memref_squeeze %dma_wait3A_763 : memref<1x80x128xf32, #tpu.memory_space<hbm>> -> memref<80x128xf32, #tpu.memory_space<hbm>>
      tpu.wait_dma2 semaphore(%run_scoped3A_752 : memref<!tpu.dma_semaphore, #tpu.memory_space<semaphore_mem>>) src(%arg12 : memref<80x128xf32, #tpu.memory_space<vmem>>) dst(%dma_wait3A_764 : memref<80x128xf32, #tpu.memory_space<hbm>>)
      tpu.yield
    }) : () -> ()
    %add3A_603 = arith.constant 400 : i32
    %add3A_604 = arith.addi %mul3A_5, %add3A_603 : i32
    %add3A_605 = arith.constant 0 : i32
    %add3A_606 = arith.addi %add3A_604, %add3A_605 : i32
    %add3A_607 = vector.broadcast %add3A_606 : i32 to vector<16xi32>
    %add3A_608 = arith.addi %add3A_607, %iota3A : vector<16xi32>
    %swap3A_609 = arith.constant 0 : index
    %swap3A_610 = tpu.vector_load %arg9[%swap3A_609] {strides = array<i32>} : memref<80xi32, #tpu.memory_space<vmem>>, vector<16xi32>,
    tpu.vector_store %arg9[%swap3A_609], %add3A_608 {strides = array<i32>} : memref<80xi32, #tpu.memory_space<vmem>>, vector<16xi32>,
    %add3A_611 = arith.constant 400 : i32
    %add3A_612 = arith.addi %mul3A_5, %add3A_611 : i32
    %add3A_613 = arith.constant 16 : i32
    %add3A_614 = arith.addi %add3A_612, %add3A_613 : i32
    %add3A_615 = vector.broadcast %add3A_614 : i32 to vector<16xi32>
    %add3A_616 = arith.addi %add3A_615, %iota3A : vector<16xi32>
    %swap3A_617 = arith.constant 16 : index
    %swap3A_618 = tpu.vector_load %arg9[%swap3A_617] {strides = array<i32>} : memref<80xi32, #tpu.memory_space<vmem>>, vector<16xi32>,
    tpu.vector_store %arg9[%swap3A_617], %add3A_616 {strides = array<i32>} : memref<80xi32, #tpu.memory_space<vmem>>, vector<16xi32>,
    %add3A_619 = arith.constant 400 : i32
    %add3A_620 = arith.addi %mul3A_5, %add3A_619 : i32
    %add3A_621 = arith.constant 32 : i32
    %add3A_622 = arith.addi %add3A_620, %add3A_621 : i32
    %add3A_623 = vector.broadcast %add3A_622 : i32 to vector<16xi32>
    %add3A_624 = arith.addi %add3A_623, %iota3A : vector<16xi32>
    %swap3A_625 = arith.constant 32 : index
    %swap3A_626 = tpu.vector_load %arg9[%swap3A_625] {strides = array<i32>} : memref<80xi32, #tpu.memory_space<vmem>>, vector<16xi32>,
    tpu.vector_store %arg9[%swap3A_625], %add3A_624 {strides = array<i32>} : memref<80xi32, #tpu.memory_space<vmem>>, vector<16xi32>,
    %add3A_627 = arith.constant 400 : i32
    %add3A_628 = arith.addi %mul3A_5, %add3A_627 : i32
    %add3A_629 = arith.constant 48 : i32
    %add3A_630 = arith.addi %add3A_628, %add3A_629 : i32
    %add3A_631 = vector.broadcast %add3A_630 : i32 to vector<16xi32>
    %add3A_632 = arith.addi %add3A_631, %iota3A : vector<16xi32>
    %swap3A_633 = arith.constant 48 : index
    %swap3A_634 = tpu.vector_load %arg9[%swap3A_633] {strides = array<i32>} : memref<80xi32, #tpu.memory_space<vmem>>, vector<16xi32>,
    tpu.vector_store %arg9[%swap3A_633], %add3A_632 {strides = array<i32>} : memref<80xi32, #tpu.memory_space<vmem>>, vector<16xi32>,
    %add3A_635 = arith.constant 400 : i32
    %add3A_636 = arith.addi %mul3A_5, %add3A_635 : i32
    %add3A_637 = arith.constant 64 : i32
    %add3A_638 = arith.addi %add3A_636, %add3A_637 : i32
    %add3A_639 = vector.broadcast %add3A_638 : i32 to vector<16xi32>
    %add3A_640 = arith.addi %add3A_639, %iota3A : vector<16xi32>
    %swap3A_641 = arith.constant 64 : index
    %swap3A_642 = tpu.vector_load %arg9[%swap3A_641] {strides = array<i32>} : memref<80xi32, #tpu.memory_space<vmem>>, vector<16xi32>,
    tpu.vector_store %arg9[%swap3A_641], %add3A_640 {strides = array<i32>} : memref<80xi32, #tpu.memory_space<vmem>>, vector<16xi32>,
    %dma_start3A_643 = arith.constant 0 : i32
    %dma_start3A_644 = arith.constant 0 : i32
    %dma_start3A_645 = tpu.memref_slice %arg14[%dma_start3A_643, %dma_start3A_644] : memref<10000x128xf32, #tpu.memory_space<vmem_shared>> -> memref<10000x128xf32, #tpu.memory_space<vmem_shared>>
    tpu.enqueue_indirect_dma source(%dma_start3A_645 : memref<10000x128xf32, #tpu.memory_space<vmem_shared>>) target(%arg12 : memref<80x128xf32, #tpu.memory_space<vmem>>) offsets(%arg9 : memref<80xi32, #tpu.memory_space<vmem>>) semaphore(%arg16 : memref<!tpu.dma_semaphore, #tpu.memory_space<semaphore_mem>>)
    %dma_wait3A_646 = arith.constant 0 : i32
    %dma_wait3A_647 = arith.constant 0 : i32
    %dma_wait3A_648 = tpu.memref_slice %arg14[%dma_wait3A_646, %dma_wait3A_647] : memref<10000x128xf32, #tpu.memory_space<vmem_shared>> -> memref<10000x128xf32, #tpu.memory_space<vmem_shared>>
    tpu.wait_indirect_dma semaphore(%arg15 : memref<!tpu.dma_semaphore, #tpu.memory_space<semaphore_mem>>) src(%dma_wait3A_648 : memref<10000x128xf32, #tpu.memory_space<vmem_shared>>) dst(%arg11 : memref<80x128xf32, #tpu.memory_space<vmem>>)
    %add3A_649 = arith.constant 320 : i32
    %add3A_650 = arith.addi %mul3A_5, %add3A_649 : i32
    "tpu.region"() ({
      %run_scoped3A_752 = tpu.sem_alloc : memref<!tpu.dma_semaphore, #tpu.memory_space<semaphore_mem>>
      %dma_start3A_753 = arith.constant 0 : i32
      %dma_start3A_754 = tpu.memref_slice %arg5[%arg0, %add3A_650, %dma_start3A_753] : memref<2x10000x128xf32, #tpu.memory_space<hbm>> -> memref<1x80x128xf32, #tpu.memory_space<hbm>>
      %dma_start3A_755 = tpu.memref_squeeze %dma_start3A_754 : memref<1x80x128xf32, #tpu.memory_space<hbm>> -> memref<80x128xf32, #tpu.memory_space<hbm>>
      %dma_start3A_756 = arith.constant 0 : i32
      %dma_start3A_757 = tpu.memref_slice %arg5[%arg0, %add3A_650, %dma_start3A_756] : memref<2x10000x128xf32, #tpu.memory_space<hbm>> -> memref<1x80x128xf32, #tpu.memory_space<hbm>>
      %dma_start3A_758 = tpu.memref_squeeze %dma_start3A_757 : memref<1x80x128xf32, #tpu.memory_space<hbm>> -> memref<80x128xf32, #tpu.memory_space<hbm>>
      tpu.enqueue_dma source(%arg11 : memref<80x128xf32, #tpu.memory_space<vmem>>) target(%dma_start3A_758 : memref<80x128xf32, #tpu.memory_space<hbm>>) target_semaphore(%run_scoped3A_752 : memref<!tpu.dma_semaphore, #tpu.memory_space<semaphore_mem>>)
      %dma_wait3A_759 = arith.constant 0 : i32
      %dma_wait3A_760 = tpu.memref_slice %arg5[%arg0, %add3A_650, %dma_wait3A_759] : memref<2x10000x128xf32, #tpu.memory_space<hbm>> -> memref<1x80x128xf32, #tpu.memory_space<hbm>>
      %dma_wait3A_761 = tpu.memref_squeeze %dma_wait3A_760 : memref<1x80x128xf32, #tpu.memory_space<hbm>> -> memref<80x128xf32, #tpu.memory_space<hbm>>
      %dma_wait3A_762 = arith.constant 0 : i32
      %dma_wait3A_763 = tpu.memref_slice %arg5[%arg0, %add3A_650, %dma_wait3A_762] : memref<2x10000x128xf32, #tpu.memory_space<hbm>> -> memref<1x80x128xf32, #tpu.memory_space<hbm>>
      %dma_wait3A_764 = tpu.memref_squeeze %dma_wait3A_763 : memref<1x80x128xf32, #tpu.memory_space<hbm>> -> memref<80x128xf32, #tpu.memory_space<hbm>>
      tpu.wait_dma2 semaphore(%run_scoped3A_752 : memref<!tpu.dma_semaphore, #tpu.memory_space<semaphore_mem>>) src(%arg11 : memref<80x128xf32, #tpu.memory_space<vmem>>) dst(%dma_wait3A_764 : memref<80x128xf32, #tpu.memory_space<hbm>>)
      tpu.yield
    }) : () -> ()
    %add3A_651 = arith.constant 480 : i32
    %add3A_652 = arith.addi %mul3A_5, %add3A_651 : i32
    %add3A_653 = arith.constant 0 : i32
    %add3A_654 = arith.addi %add3A_652, %add3A_653 : i32
    %add3A_655 = vector.broadcast %add3A_654 : i32 to vector<16xi32>
    %add3A_656 = arith.addi %add3A_655, %iota3A : vector<16xi32>
    %swap3A_657 = arith.constant 0 : index
    %swap3A_658 = tpu.vector_load %arg7[%swap3A_657] {strides = array<i32>} : memref<80xi32, #tpu.memory_space<vmem>>, vector<16xi32>,
    tpu.vector_store %arg7[%swap3A_657], %add3A_656 {strides = array<i32>} : memref<80xi32, #tpu.memory_space<vmem>>, vector<16xi32>,
    %add3A_659 = arith.constant 480 : i32
    %add3A_660 = arith.addi %mul3A_5, %add3A_659 : i32
    %add3A_661 = arith.constant 16 : i32
    %add3A_662 = arith.addi %add3A_660, %add3A_661 : i32
    %add3A_663 = vector.broadcast %add3A_662 : i32 to vector<16xi32>
    %add3A_664 = arith.addi %add3A_663, %iota3A : vector<16xi32>
    %swap3A_665 = arith.constant 16 : index
    %swap3A_666 = tpu.vector_load %arg7[%swap3A_665] {strides = array<i32>} : memref<80xi32, #tpu.memory_space<vmem>>, vector<16xi32>,
    tpu.vector_store %arg7[%swap3A_665], %add3A_664 {strides = array<i32>} : memref<80xi32, #tpu.memory_space<vmem>>, vector<16xi32>,
    %add3A_667 = arith.constant 480 : i32
    %add3A_668 = arith.addi %mul3A_5, %add3A_667 : i32
    %add3A_669 = arith.constant 32 : i32
    %add3A_670 = arith.addi %add3A_668, %add3A_669 : i32
    %add3A_671 = vector.broadcast %add3A_670 : i32 to vector<16xi32>
    %add3A_672 = arith.addi %add3A_671, %iota3A : vector<16xi32>
    %swap3A_673 = arith.constant 32 : index
    %swap3A_674 = tpu.vector_load %arg7[%swap3A_673] {strides = array<i32>} : memref<80xi32, #tpu.memory_space<vmem>>, vector<16xi32>,
    tpu.vector_store %arg7[%swap3A_673], %add3A_672 {strides = array<i32>} : memref<80xi32, #tpu.memory_space<vmem>>, vector<16xi32>,
    %add3A_675 = arith.constant 480 : i32
    %add3A_676 = arith.addi %mul3A_5, %add3A_675 : i32
    %add3A_677 = arith.constant 48 : i32
    %add3A_678 = arith.addi %add3A_676, %add3A_677 : i32
    %add3A_679 = vector.broadcast %add3A_678 : i32 to vector<16xi32>
    %add3A_680 = arith.addi %add3A_679, %iota3A : vector<16xi32>
    %swap3A_681 = arith.constant 48 : index
    %swap3A_682 = tpu.vector_load %arg7[%swap3A_681] {strides = array<i32>} : memref<80xi32, #tpu.memory_space<vmem>>, vector<16xi32>,
    tpu.vector_store %arg7[%swap3A_681], %add3A_680 {strides = array<i32>} : memref<80xi32, #tpu.memory_space<vmem>>, vector<16xi32>,
    %add3A_683 = arith.constant 480 : i32
    %add3A_684 = arith.addi %mul3A_5, %add3A_683 : i32
    %add3A_685 = arith.constant 64 : i32
    %add3A_686 = arith.addi %add3A_684, %add3A_685 : i32
    %add3A_687 = vector.broadcast %add3A_686 : i32 to vector<16xi32>
    %add3A_688 = arith.addi %add3A_687, %iota3A : vector<16xi32>
    %swap3A_689 = arith.constant 64 : index
    %swap3A_690 = tpu.vector_load %arg7[%swap3A_689] {strides = array<i32>} : memref<80xi32, #tpu.memory_space<vmem>>, vector<16xi32>,
    tpu.vector_store %arg7[%swap3A_689], %add3A_688 {strides = array<i32>} : memref<80xi32, #tpu.memory_space<vmem>>, vector<16xi32>,
    %dma_start3A_691 = arith.constant 0 : i32
    %dma_start3A_692 = arith.constant 0 : i32
    %dma_start3A_693 = tpu.memref_slice %arg14[%dma_start3A_691, %dma_start3A_692] : memref<10000x128xf32, #tpu.memory_space<vmem_shared>> -> memref<10000x128xf32, #tpu.memory_space<vmem_shared>>
    tpu.enqueue_indirect_dma source(%dma_start3A_693 : memref<10000x128xf32, #tpu.memory_space<vmem_shared>>) target(%arg11 : memref<80x128xf32, #tpu.memory_space<vmem>>) offsets(%arg7 : memref<80xi32, #tpu.memory_space<vmem>>) semaphore(%arg15 : memref<!tpu.dma_semaphore, #tpu.memory_space<semaphore_mem>>)
    %dma_wait3A_694 = arith.constant 0 : i32
    %dma_wait3A_695 = arith.constant 0 : i32
    %dma_wait3A_696 = tpu.memref_slice %arg14[%dma_wait3A_694, %dma_wait3A_695] : memref<10000x128xf32, #tpu.memory_space<vmem_shared>> -> memref<10000x128xf32, #tpu.memory_space<vmem_shared>>
    tpu.wait_indirect_dma semaphore(%arg16 : memref<!tpu.dma_semaphore, #tpu.memory_space<semaphore_mem>>) src(%dma_wait3A_696 : memref<10000x128xf32, #tpu.memory_space<vmem_shared>>) dst(%arg12 : memref<80x128xf32, #tpu.memory_space<vmem>>)
    %add3A_697 = arith.constant 400 : i32
    %add3A_698 = arith.addi %mul3A_5, %add3A_697 : i32
    "tpu.region"() ({
      %run_scoped3A_752 = tpu.sem_alloc : memref<!tpu.dma_semaphore, #tpu.memory_space<semaphore_mem>>
      %dma_start3A_753 = arith.constant 0 : i32
      %dma_start3A_754 = tpu.memref_slice %arg5[%arg0, %add3A_698, %dma_start3A_753] : memref<2x10000x128xf32, #tpu.memory_space<hbm>> -> memref<1x80x128xf32, #tpu.memory_space<hbm>>
      %dma_start3A_755 = tpu.memref_squeeze %dma_start3A_754 : memref<1x80x128xf32, #tpu.memory_space<hbm>> -> memref<80x128xf32, #tpu.memory_space<hbm>>
      %dma_start3A_756 = arith.constant 0 : i32
      %dma_start3A_757 = tpu.memref_slice %arg5[%arg0, %add3A_698, %dma_start3A_756] : memref<2x10000x128xf32, #tpu.memory_space<hbm>> -> memref<1x80x128xf32, #tpu.memory_space<hbm>>
      %dma_start3A_758 = tpu.memref_squeeze %dma_start3A_757 : memref<1x80x128xf32, #tpu.memory_space<hbm>> -> memref<80x128xf32, #tpu.memory_space<hbm>>
      tpu.enqueue_dma source(%arg12 : memref<80x128xf32, #tpu.memory_space<vmem>>) target(%dma_start3A_758 : memref<80x128xf32, #tpu.memory_space<hbm>>) target_semaphore(%run_scoped3A_752 : memref<!tpu.dma_semaphore, #tpu.memory_space<semaphore_mem>>)
      %dma_wait3A_759 = arith.constant 0 : i32
      %dma_wait3A_760 = tpu.memref_slice %arg5[%arg0, %add3A_698, %dma_wait3A_759] : memref<2x10000x128xf32, #tpu.memory_space<hbm>> -> memref<1x80x128xf32, #tpu.memory_space<hbm>>
      %dma_wait3A_761 = tpu.memref_squeeze %dma_wait3A_760 : memref<1x80x128xf32, #tpu.memory_space<hbm>> -> memref<80x128xf32, #tpu.memory_space<hbm>>
      %dma_wait3A_762 = arith.constant 0 : i32
      %dma_wait3A_763 = tpu.memref_slice %arg5[%arg0, %add3A_698, %dma_wait3A_762] : memref<2x10000x128xf32, #tpu.memory_space<hbm>> -> memref<1x80x128xf32, #tpu.memory_space<hbm>>
      %dma_wait3A_764 = tpu.memref_squeeze %dma_wait3A_763 : memref<1x80x128xf32, #tpu.memory_space<hbm>> -> memref<80x128xf32, #tpu.memory_space<hbm>>
      tpu.wait_dma2 semaphore(%run_scoped3A_752 : memref<!tpu.dma_semaphore, #tpu.memory_space<semaphore_mem>>) src(%arg12 : memref<80x128xf32, #tpu.memory_space<vmem>>) dst(%dma_wait3A_764 : memref<80x128xf32, #tpu.memory_space<hbm>>)
      tpu.yield
    }) : () -> ()
    %add3A_699 = arith.constant 560 : i32
    %add3A_700 = arith.addi %mul3A_5, %add3A_699 : i32
    %add3A_701 = arith.constant 0 : i32
    %add3A_702 = arith.addi %add3A_700, %add3A_701 : i32
    %add3A_703 = vector.broadcast %add3A_702 : i32 to vector<16xi32>
    %add3A_704 = arith.addi %add3A_703, %iota3A : vector<16xi32>
    %swap3A_705 = arith.constant 0 : index
    %swap3A_706 = tpu.vector_load %arg9[%swap3A_705] {strides = array<i32>} : memref<80xi32, #tpu.memory_space<vmem>>, vector<16xi32>,
    tpu.vector_store %arg9[%swap3A_705], %add3A_704 {strides = array<i32>} : memref<80xi32, #tpu.memory_space<vmem>>, vector<16xi32>,
    %add3A_707 = arith.constant 560 : i32
    %add3A_708 = arith.addi %mul3A_5, %add3A_707 : i32
    %add3A_709 = arith.constant 16 : i32
    %add3A_710 = arith.addi %add3A_708, %add3A_709 : i32
    %add3A_711 = vector.broadcast %add3A_710 : i32 to vector<16xi32>
    %add3A_712 = arith.addi %add3A_711, %iota3A : vector<16xi32>
    %swap3A_713 = arith.constant 16 : index
    %swap3A_714 = tpu.vector_load %arg9[%swap3A_713] {strides = array<i32>} : memref<80xi32, #tpu.memory_space<vmem>>, vector<16xi32>,
    tpu.vector_store %arg9[%swap3A_713], %add3A_712 {strides = array<i32>} : memref<80xi32, #tpu.memory_space<vmem>>, vector<16xi32>,
    %add3A_715 = arith.constant 560 : i32
    %add3A_716 = arith.addi %mul3A_5, %add3A_715 : i32
    %add3A_717 = arith.constant 32 : i32
    %add3A_718 = arith.addi %add3A_716, %add3A_717 : i32
    %add3A_719 = vector.broadcast %add3A_718 : i32 to vector<16xi32>
    %add3A_720 = arith.addi %add3A_719, %iota3A : vector<16xi32>
    %swap3A_721 = arith.constant 32 : index
    %swap3A_722 = tpu.vector_load %arg9[%swap3A_721] {strides = array<i32>} : memref<80xi32, #tpu.memory_space<vmem>>, vector<16xi32>,
    tpu.vector_store %arg9[%swap3A_721], %add3A_720 {strides = array<i32>} : memref<80xi32, #tpu.memory_space<vmem>>, vector<16xi32>,
    %add3A_723 = arith.constant 560 : i32
    %add3A_724 = arith.addi %mul3A_5, %add3A_723 : i32
    %add3A_725 = arith.constant 48 : i32
    %add3A_726 = arith.addi %add3A_724, %add3A_725 : i32
    %add3A_727 = vector.broadcast %add3A_726 : i32 to vector<16xi32>
    %add3A_728 = arith.addi %add3A_727, %iota3A : vector<16xi32>
    %swap3A_729 = arith.constant 48 : index
    %swap3A_730 = tpu.vector_load %arg9[%swap3A_729] {strides = array<i32>} : memref<80xi32, #tpu.memory_space<vmem>>, vector<16xi32>,
    tpu.vector_store %arg9[%swap3A_729], %add3A_728 {strides = array<i32>} : memref<80xi32, #tpu.memory_space<vmem>>, vector<16xi32>,
    %add3A_731 = arith.constant 560 : i32
    %add3A_732 = arith.addi %mul3A_5, %add3A_731 : i32
    %add3A_733 = arith.constant 64 : i32
    %add3A_734 = arith.addi %add3A_732, %add3A_733 : i32
    %add3A_735 = vector.broadcast %add3A_734 : i32 to vector<16xi32>
    %add3A_736 = arith.addi %add3A_735, %iota3A : vector<16xi32>
    %swap3A_737 = arith.constant 64 : index
    %swap3A_738 = tpu.vector_load %arg9[%swap3A_737] {strides = array<i32>} : memref<80xi32, #tpu.memory_space<vmem>>, vector<16xi32>,
    tpu.vector_store %arg9[%swap3A_737], %add3A_736 {strides = array<i32>} : memref<80xi32, #tpu.memory_space<vmem>>, vector<16xi32>,
    %dma_start3A_739 = arith.constant 0 : i32
    %dma_start3A_740 = arith.constant 0 : i32
    %dma_start3A_741 = tpu.memref_slice %arg14[%dma_start3A_739, %dma_start3A_740] : memref<10000x128xf32, #tpu.memory_space<vmem_shared>> -> memref<10000x128xf32, #tpu.memory_space<vmem_shared>>
    tpu.enqueue_indirect_dma source(%dma_start3A_741 : memref<10000x128xf32, #tpu.memory_space<vmem_shared>>) target(%arg12 : memref<80x128xf32, #tpu.memory_space<vmem>>) offsets(%arg9 : memref<80xi32, #tpu.memory_space<vmem>>) semaphore(%arg16 : memref<!tpu.dma_semaphore, #tpu.memory_space<semaphore_mem>>)
    %dma_wait3A_742 = arith.constant 0 : i32
    %dma_wait3A_743 = arith.constant 0 : i32
    %dma_wait3A_744 = tpu.memref_slice %arg14[%dma_wait3A_742, %dma_wait3A_743] : memref<10000x128xf32, #tpu.memory_space<vmem_shared>> -> memref<10000x128xf32, #tpu.memory_space<vmem_shared>>
    tpu.wait_indirect_dma semaphore(%arg15 : memref<!tpu.dma_semaphore, #tpu.memory_space<semaphore_mem>>) src(%dma_wait3A_744 : memref<10000x128xf32, #tpu.memory_space<vmem_shared>>) dst(%arg11 : memref<80x128xf32, #tpu.memory_space<vmem>>)
    %add3A_745 = arith.constant 480 : i32
    %add3A_746 = arith.addi %mul3A_5, %add3A_745 : i32
    "tpu.region"() ({
      %run_scoped3A_752 = tpu.sem_alloc : memref<!tpu.dma_semaphore, #tpu.memory_space<semaphore_mem>>
      %dma_start3A_753 = arith.constant 0 : i32
      %dma_start3A_754 = tpu.memref_slice %arg5[%arg0, %add3A_746, %dma_start3A_753] : memref<2x10000x128xf32, #tpu.memory_space<hbm>> -> memref<1x80x128xf32, #tpu.memory_space<hbm>>
      %dma_start3A_755 = tpu.memref_squeeze %dma_start3A_754 : memref<1x80x128xf32, #tpu.memory_space<hbm>> -> memref<80x128xf32, #tpu.memory_space<hbm>>
      %dma_start3A_756 = arith.constant 0 : i32
      %dma_start3A_757 = tpu.memref_slice %arg5[%arg0, %add3A_746, %dma_start3A_756] : memref<2x10000x128xf32, #tpu.memory_space<hbm>> -> memref<1x80x128xf32, #tpu.memory_space<hbm>>
      %dma_start3A_758 = tpu.memref_squeeze %dma_start3A_757 : memref<1x80x128xf32, #tpu.memory_space<hbm>> -> memref<80x128xf32, #tpu.memory_space<hbm>>
      tpu.enqueue_dma source(%arg11 : memref<80x128xf32, #tpu.memory_space<vmem>>) target(%dma_start3A_758 : memref<80x128xf32, #tpu.memory_space<hbm>>) target_semaphore(%run_scoped3A_752 : memref<!tpu.dma_semaphore, #tpu.memory_space<semaphore_mem>>)
      %dma_wait3A_759 = arith.constant 0 : i32
      %dma_wait3A_760 = tpu.memref_slice %arg5[%arg0, %add3A_746, %dma_wait3A_759] : memref<2x10000x128xf32, #tpu.memory_space<hbm>> -> memref<1x80x128xf32, #tpu.memory_space<hbm>>
      %dma_wait3A_761 = tpu.memref_squeeze %dma_wait3A_760 : memref<1x80x128xf32, #tpu.memory_space<hbm>> -> memref<80x128xf32, #tpu.memory_space<hbm>>
      %dma_wait3A_762 = arith.constant 0 : i32
      %dma_wait3A_763 = tpu.memref_slice %arg5[%arg0, %add3A_746, %dma_wait3A_762] : memref<2x10000x128xf32, #tpu.memory_space<hbm>> -> memref<1x80x128xf32, #tpu.memory_space<hbm>>
      %dma_wait3A_764 = tpu.memref_squeeze %dma_wait3A_763 : memref<1x80x128xf32, #tpu.memory_space<hbm>> -> memref<80x128xf32, #tpu.memory_space<hbm>>
      tpu.wait_dma2 semaphore(%run_scoped3A_752 : memref<!tpu.dma_semaphore, #tpu.memory_space<semaphore_mem>>) src(%arg11 : memref<80x128xf32, #tpu.memory_space<vmem>>) dst(%dma_wait3A_764 : memref<80x128xf32, #tpu.memory_space<hbm>>)
      tpu.yield
    }) : () -> ()
    %dma_wait3A_747 = arith.constant 0 : i32
    %dma_wait3A_748 = arith.constant 0 : i32
    %dma_wait3A_749 = tpu.memref_slice %arg14[%dma_wait3A_747, %dma_wait3A_748] : memref<10000x128xf32, #tpu.memory_space<vmem_shared>> -> memref<10000x128xf32, #tpu.memory_space<vmem_shared>>
    tpu.wait_indirect_dma semaphore(%arg16 : memref<!tpu.dma_semaphore, #tpu.memory_space<semaphore_mem>>) src(%dma_wait3A_749 : memref<10000x128xf32, #tpu.memory_space<vmem_shared>>) dst(%arg12 : memref<80x128xf32, #tpu.memory_space<vmem>>)
    %add3A_750 = arith.constant 560 : i32
    %add3A_751 = arith.addi %mul3A_5, %add3A_750 : i32
    "tpu.region"() ({
      %run_scoped3A_752 = tpu.sem_alloc : memref<!tpu.dma_semaphore, #tpu.memory_space<semaphore_mem>>
      %dma_start3A_753 = arith.constant 0 : i32
      %dma_start3A_754 = tpu.memref_slice %arg5[%arg0, %add3A_751, %dma_start3A_753] : memref<2x10000x128xf32, #tpu.memory_space<hbm>> -> memref<1x80x128xf32, #tpu.memory_space<hbm>>
      %dma_start3A_755 = tpu.memref_squeeze %dma_start3A_754 : memref<1x80x128xf32, #tpu.memory_space<hbm>> -> memref<80x128xf32, #tpu.memory_space<hbm>>
      %dma_start3A_756 = arith.constant 0 : i32
      %dma_start3A_757 = tpu.memref_slice %arg5[%arg0, %add3A_751, %dma_start3A_756] : memref<2x10000x128xf32, #tpu.memory_space<hbm>> -> memref<1x80x128xf32, #tpu.memory_space<hbm>>
      %dma_start3A_758 = tpu.memref_squeeze %dma_start3A_757 : memref<1x80x128xf32, #tpu.memory_space<hbm>> -> memref<80x128xf32, #tpu.memory_space<hbm>>
      tpu.enqueue_dma source(%arg12 : memref<80x128xf32, #tpu.memory_space<vmem>>) target(%dma_start3A_758 : memref<80x128xf32, #tpu.memory_space<hbm>>) target_semaphore(%run_scoped3A_752 : memref<!tpu.dma_semaphore, #tpu.memory_space<semaphore_mem>>)
      %dma_wait3A_759 = arith.constant 0 : i32
      %dma_wait3A_760 = tpu.memref_slice %arg5[%arg0, %add3A_751, %dma_wait3A_759] : memref<2x10000x128xf32, #tpu.memory_space<hbm>> -> memref<1x80x128xf32, #tpu.memory_space<hbm>>
      %dma_wait3A_761 = tpu.memref_squeeze %dma_wait3A_760 : memref<1x80x128xf32, #tpu.memory_space<hbm>> -> memref<80x128xf32, #tpu.memory_space<hbm>>
      %dma_wait3A_762 = arith.constant 0 : i32
      %dma_wait3A_763 = tpu.memref_slice %arg5[%arg0, %add3A_751, %dma_wait3A_762] : memref<2x10000x128xf32, #tpu.memory_space<hbm>> -> memref<1x80x128xf32, #tpu.memory_space<hbm>>
      %dma_wait3A_764 = tpu.memref_squeeze %dma_wait3A_763 : memref<1x80x128xf32, #tpu.memory_space<hbm>> -> memref<80x128xf32, #tpu.memory_space<hbm>>
      tpu.wait_dma2 semaphore(%run_scoped3A_752 : memref<!tpu.dma_semaphore, #tpu.memory_space<semaphore_mem>>) src(%arg12 : memref<80x128xf32, #tpu.memory_space<vmem>>) dst(%dma_wait3A_764 : memref<80x128xf32, #tpu.memory_space<hbm>>)
      tpu.yield
    }) : () -> ()
    return
  }
}

module attributes {stable_mosaic.version = 14 : i64} {
  func.func @body(%arg0: i32, %arg1: memref<1000x128xf32, #tpu.memory_space<vmem>>, %arg2: memref<2x1000x128xf32, #tpu.memory_space<vmem>>, %arg3: memref<1000x1xf32, #tpu.memory_space<vmem>>, %arg4: memref<128x256xf32, #tpu.memory_space<vmem>>, %arg5: memref<64x256xf32, #tpu.memory_space<vmem>>, %arg6: memref<1x256xf32, #tpu.memory_space<vmem>>, %arg7: memref<1000x128xf32, #tpu.memory_space<vmem>>) attributes {dimension_semantics = [#tpu.dimension_semantics<arbitrary>], iteration_bounds = array<i64: 10>, scalar_prefetch = 0 : i64, scratch_operands = 0 : i64, tpu.core_type = #tpu.core_type<tc>, window_params = [{transform_indices = @transform_0, window_bounds = array<i64: 1000, 128>}, {transform_indices = @transform_1, window_bounds = array<i64: 2, 1000, 128>}, {transform_indices = @transform_2, window_bounds = array<i64: 1000, 1>}, {pipeline_mode = #tpu.pipeline_mode<synchronous>, transform_indices = @transform_3, window_bounds = array<i64: 128, 256>}, {pipeline_mode = #tpu.pipeline_mode<synchronous>, transform_indices = @transform_4, window_bounds = array<i64: 64, 256>}, {pipeline_mode = #tpu.pipeline_mode<synchronous>, transform_indices = @transform_5, window_bounds = array<i64: 1, 256>}, {transform_indices = @transform_6, window_bounds = array<i64: 1000, 128>}]} {
    %get3A = arith.constant 0 : index
    %get3A_0 = arith.constant 0 : index
    %get3A_1 = arith.constant 0 : index
    %get3A_2 = vector.load %arg2[%get3A, %get3A_0, %get3A_1] : memref<2x1000x128xf32, #tpu.memory_space<vmem>>, vector<1x1000x128xf32>
    %get3A_3 = vector.shape_cast %get3A_2 : vector<1x1000x128xf32> to vector<1000x128xf32>
    %get3A_4 = arith.constant 1 : index
    %get3A_5 = arith.constant 0 : index
    %get3A_6 = arith.constant 0 : index
    %get3A_7 = vector.load %arg2[%get3A_4, %get3A_5, %get3A_6] : memref<2x1000x128xf32, #tpu.memory_space<vmem>>, vector<1x1000x128xf32>
    %get3A_8 = vector.shape_cast %get3A_7 : vector<1x1000x128xf32> to vector<1000x128xf32>
    %add3A = arith.addf %get3A_3, %get3A_8 : vector<1000x128xf32>
    %get3A_9 = arith.constant 0 : index
    %get3A_10 = arith.constant 0 : index
    %get3A_11 = vector.load %arg3[%get3A_9, %get3A_10] : memref<1000x1xf32, #tpu.memory_space<vmem>>, vector<1000x1xf32>
    %max3A = arith.constant 1.000000e+00 : f32
    %max3A_12 = vector.broadcast %max3A : f32 to vector<1000x1xf32>
    %max3A_13 = arith.maximumf %get3A_11, %max3A_12 : vector<1000x1xf32>
    %div3A = vector.broadcast %max3A_13 : vector<1000x1xf32> to vector<1000x128xf32>
    %div3A_14 = arith.divf %add3A, %div3A : vector<1000x128xf32>
    %slice3A = vector.extract_strided_slice %div3A_14 {offsets = [0, 0], sizes = [1000, 64], strides = [1, 1]} : vector<1000x128xf32> to vector<1000x64xf32>
    %slice3A_15 = vector.extract_strided_slice %div3A_14 {offsets = [0, 64], sizes = [1000, 64], strides = [1, 1]} : vector<1000x128xf32> to vector<1000x64xf32>
    %get3A_16 = arith.constant 0 : index
    %get3A_17 = arith.constant 0 : index
    %get3A_18 = vector.load %arg1[%get3A_16, %get3A_17] : memref<1000x128xf32, #tpu.memory_space<vmem>>, vector<1000x128xf32>
    %get3A_19 = arith.constant 0 : index
    %get3A_20 = arith.constant 0 : index
    %get3A_21 = vector.load %arg4[%get3A_19, %get3A_20] : memref<128x256xf32, #tpu.memory_space<vmem>>, vector<128x256xf32>
    %dot_general3A = arith.constant dense<0.000000e+00> : vector<1000x256xf32>
    %dot_general3A_22 = tpu.matmul %get3A_18, %get3A_21, %dot_general3A {dimension_numbers = #tpu.dot_dimension_numbers<[1], [0], [0], [1], [0, 0, 1, 1], [], []>, transpose_lhs_hint = false} : vector<1000x128xf32>, vector<128x256xf32>, vector<1000x256xf32> -> vector<1000x256xf32>
    %get3A_23 = arith.constant 0 : index
    %get3A_24 = arith.constant 0 : index
    %get3A_25 = vector.load %arg5[%get3A_23, %get3A_24] : memref<64x256xf32, #tpu.memory_space<vmem>>, vector<64x256xf32>
    %dot_general3A_26 = arith.constant dense<0.000000e+00> : vector<1000x256xf32>
    %dot_general3A_27 = tpu.matmul %slice3A, %get3A_25, %dot_general3A_26 {dimension_numbers = #tpu.dot_dimension_numbers<[1], [0], [0], [1], [0, 0, 1, 1], [], []>, transpose_lhs_hint = false} : vector<1000x64xf32>, vector<64x256xf32>, vector<1000x256xf32> -> vector<1000x256xf32>
    %add3A_28 = arith.addf %dot_general3A_22, %dot_general3A_27 : vector<1000x256xf32>
    %get3A_29 = arith.constant 0 : index
    %get3A_30 = arith.constant 0 : index
    %get3A_31 = vector.load %arg6[%get3A_29, %get3A_30] : memref<1x256xf32, #tpu.memory_space<vmem>>, vector<1x256xf32>
    %add3A_32 = vector.broadcast %get3A_31 : vector<1x256xf32> to vector<1000x256xf32>
    %add3A_33 = arith.addf %add3A_28, %add3A_32 : vector<1000x256xf32>
    %slice3A_34 = vector.extract_strided_slice %add3A_33 {offsets = [0, 0], sizes = [1000, 64], strides = [1, 1]} : vector<1000x256xf32> to vector<1000x64xf32>
    %logistic3A = arith.negf %slice3A_34 : vector<1000x64xf32>
    %logistic3A_35 = math.exp %logistic3A : vector<1000x64xf32>
    %logistic3A_36 = arith.constant 1.000000e+00 : f32
    %logistic3A_37 = vector.broadcast %logistic3A_36 : f32 to vector<1000x64xf32>
    %logistic3A_38 = arith.addf %logistic3A_37, %logistic3A_35 : vector<1000x64xf32>
    %logistic3A_39 = arith.divf %logistic3A_37, %logistic3A_38 : vector<1000x64xf32>
    %slice3A_40 = vector.extract_strided_slice %add3A_33 {offsets = [0, 64], sizes = [1000, 64], strides = [1, 1]} : vector<1000x256xf32> to vector<1000x64xf32>
    %logistic3A_41 = arith.negf %slice3A_40 : vector<1000x64xf32>
    %logistic3A_42 = math.exp %logistic3A_41 : vector<1000x64xf32>
    %logistic3A_43 = arith.constant 1.000000e+00 : f32
    %logistic3A_44 = vector.broadcast %logistic3A_43 : f32 to vector<1000x64xf32>
    %logistic3A_45 = arith.addf %logistic3A_44, %logistic3A_42 : vector<1000x64xf32>
    %logistic3A_46 = arith.divf %logistic3A_44, %logistic3A_45 : vector<1000x64xf32>
    %slice3A_47 = vector.extract_strided_slice %add3A_33 {offsets = [0, 128], sizes = [1000, 64], strides = [1, 1]} : vector<1000x256xf32> to vector<1000x64xf32>
    %tanh3A = math.tanh %slice3A_47 : vector<1000x64xf32>
    %slice3A_48 = vector.extract_strided_slice %add3A_33 {offsets = [0, 192], sizes = [1000, 64], strides = [1, 1]} : vector<1000x256xf32> to vector<1000x64xf32>
    %logistic3A_49 = arith.negf %slice3A_48 : vector<1000x64xf32>
    %logistic3A_50 = math.exp %logistic3A_49 : vector<1000x64xf32>
    %logistic3A_51 = arith.constant 1.000000e+00 : f32
    %logistic3A_52 = vector.broadcast %logistic3A_51 : f32 to vector<1000x64xf32>
    %logistic3A_53 = arith.addf %logistic3A_52, %logistic3A_50 : vector<1000x64xf32>
    %logistic3A_54 = arith.divf %logistic3A_52, %logistic3A_53 : vector<1000x64xf32>
    %mul3A = arith.mulf %logistic3A_46, %slice3A_15 : vector<1000x64xf32>
    %mul3A_55 = arith.mulf %logistic3A_39, %tanh3A : vector<1000x64xf32>
    %add3A_56 = arith.addf %mul3A, %mul3A_55 : vector<1000x64xf32>
    %tanh3A_57 = math.tanh %add3A_56 : vector<1000x64xf32>
    %mul3A_58 = arith.mulf %logistic3A_54, %tanh3A_57 : vector<1000x64xf32>
    %concatenate3A = tpu.concatenate %mul3A_58, %add3A_56 in 1 : vector<1000x64xf32>, vector<1000x64xf32> -> vector<1000x128xf32>
    %swap3A = arith.constant 0 : index
    %swap3A_59 = arith.constant 0 : index
    %swap3A_60 = vector.load %arg7[%swap3A, %swap3A_59] : memref<1000x128xf32, #tpu.memory_space<vmem>>, vector<1000x128xf32>
    tpu.vector_store %arg7[%swap3A, %swap3A_59], %concatenate3A {strides = array<i32>} : memref<1000x128xf32, #tpu.memory_space<vmem>>, vector<1000x128xf32>,
    return
  }
  func.func @transform_0(%arg0: i32) -> (i32, i32) {
    %c0_i32 = arith.constant 0 : i32
    %c0_i32_0 = arith.constant 0 : i32
    return %arg0, %c0_i32 : i32, i32
  }
  func.func @transform_1(%arg0: i32) -> (i32, i32, i32) {
    %c0_i32 = arith.constant 0 : i32
    %c0_i32_0 = arith.constant 0 : i32
    %c0_i32_1 = arith.constant 0 : i32
    return %c0_i32, %arg0, %c0_i32_0 : i32, i32, i32
  }
  func.func @transform_2(%arg0: i32) -> (i32, i32) {
    %c0_i32 = arith.constant 0 : i32
    %c0_i32_0 = arith.constant 0 : i32
    return %arg0, %c0_i32 : i32, i32
  }
  func.func @transform_3(%arg0: i32) -> (i32, i32) {
    %c0_i32 = arith.constant 0 : i32
    %c0_i32_0 = arith.constant 0 : i32
    %c0_i32_1 = arith.constant 0 : i32
    return %c0_i32, %c0_i32_0 : i32, i32
  }
  func.func @transform_4(%arg0: i32) -> (i32, i32) {
    %c0_i32 = arith.constant 0 : i32
    %c0_i32_0 = arith.constant 0 : i32
    %c0_i32_1 = arith.constant 0 : i32
    return %c0_i32, %c0_i32_0 : i32, i32
  }
  func.func @transform_5(%arg0: i32) -> (i32, i32) {
    %c0_i32 = arith.constant 0 : i32
    %c0_i32_0 = arith.constant 0 : i32
    %c0_i32_1 = arith.constant 0 : i32
    return %c0_i32, %c0_i32_0 : i32, i32
  }
  func.func @transform_6(%arg0: i32) -> (i32, i32) {
    %c0_i32 = arith.constant 0 : i32
    %c0_i32_0 = arith.constant 0 : i32
    return %arg0, %c0_i32 : i32, i32
  }
}

</mosaic_0001>

<sc_bundles>
// kernel: kernel.4.cloned.1.call-start
scs
__scs_entry_jumppad:
0x0: {  	(pc) =	sbr.rel $0x88, $3  }
0x1: {  	(tag) =	ssettag $0x0;
	lr =	simm.s32 $0x1  }
0x2: {  	[smem:$0x3F9B] =	sst lr;
	_ =	strace $0xD0000000  }
0x3: {  	_ = 	snop  }
0x4: {  	_ = 	snop  }
0x5: {  	_ = 	snop  }
0x6: {  	_ = 	snop  }
0x7: {  	_ = 	snop  }
__scs_overlays_trampoline_lowered:
0x8: {  	[smem:$0x3FAA] =	sst s0  }
0x9: {  	[smem:$0x3FAB] =	sst s1  }
0xa: {  	[smem:$0x3FAC] =	sst s2  }
0xb: {  	[smem:$0x3FAD] =	sst s3  }
0xc: {  	[smem:$0x3FAE] =	sst s4  }
0xd: {  	[smem:$0x3FAF] =	sst s5  }
0xe: {  	[smem:$0x3FB0] =	sst s6  }
0xf: {  	[smem:$0x3FB1] =	sst s7  }
0x10: {  	[smem:$0x3FB2] =	sst s8  }
0x11: {  	[smem:$0x3FB3] =	sst s9;
	s0 =	simm.s32 @!p0 $0x0  }
0x12: {  	s1 =	sld [smem:$0x3F99];
	s0 =	simm.s32 @p0 $0x1  }
0x13: {  	[smem:$0x3FB4] =	sst s0;
	s0 =	simm.s32 @!p1 $0x0  }
0x14: {  	s2 =	sld [smem:$0x3F98];
	s0 =	simm.s32 @p1 $0x1  }
0x15: {  	[smem:$0x3FB5] =	sst s0;
	s0 =	simm.s32 @!p2 $0x0  }
0x16: {  	s3 =	sld [smem:$0x3FDB];
	s0 =	simm.s32 @p2 $0x1  }
0x17: {  	s4 =	simm.s32 $0x1BF5;
	[smem:$0x3FB7] =	sst s0  }
0x18: {  	s0 =	sld [smem:$0x3F9A];
	_ =	swait.ge [sflag:s4], $0x0  }
0x19: {  	s7 =	sld [smem:$0x3F9B]  }
0x1a: {  	s8 =	sadd.s32 $0xFFFFE003, lr  }
0x1b: {  	s9 =	sadd.s32 $0xFFFFFEF7, lr;
	s5 =	simm.s32 $0xFFFFFFFF;
	p2 =	slt.u32 s8, $0xFFFFF086  }
0x1c: {  	p1 =	slt.u32 s9, $0xF7A;
	s5 =	simm.s32 @!p2 $0x0  }
0x1d: {  	s5 =	simm.s32 @p1 $0x1;
	p0 =	seq.s32 s7, s2  }
0x1e: {  	s7 =	smul.u32 @!p0 $0xF7A, s2;
	p2 =	seq.s32 @!p0 s5, $0x0  }
0x1f: {  	s9 =	smul.u32 $0xF7A, s1;
	s8 =	simm.s32 @!p0 $0x1BF5;
	p2 =	por !p2, p0  }
0x20: {  	[sflag:s8] =	ssyncset.s32 @!p0 $0xFFFFF086;
	s6 =	sadd.s32 @!p0 s3, s7;
	s7 =	simm.s32 @!p0 $0x108  }
0x21: {  	s3 =	sadd.s32 s3, s9;
	s6 =	sadd.s32 @!p0 $0x88, s6;
	s7 =	simm.s32 @p2 $0x1082  }
0x22: {  	[simem:s7], [sflag:s8] =	dma.local @!p0 [hbm:s6], $0xF7A  }
0x23: {  	s9 =	sor.u32 $0xD0000000, s2;
	s6 =	simm.s32 $0x108;
	_ =	swait.ge @!p0 [sflag:s8], $0x0  }
0x24: {  	s3 =	sadd.s32 $0x88, s3;
	s6 =	simm.s32 @!p1 $0x1082;
	[sflag:s4] =	ssyncset.s32 $0xFFFFF086  }
0x25: {  	[simem:s6], [sflag:s4] =	dma.local [hbm:s3], $0xF7A  }
0x26: {  	[smem:$0x3F9B] =	sst s1;
	(tag) =	ssettag s2;
	_ =	strace s9  }
0x27: {  	s1 =	sld [smem:$0x3FAB]  }
0x28: {  	s2 =	sld [smem:$0x3FAC]  }
0x29: {  	s4 =	sld [smem:$0x3FAE]  }
0x2a: {  	p0 =	seq.s32 s5, $0x0;
	s5 =	sld [smem:$0x3FAF]  }
0x2b: {  	s6 =	sld [smem:$0x3FB0]  }
0x2c: {  	s7 =	sld [smem:$0x3FB1]  }
0x2d: {  	s3 =	simm.s32 $0x108;
	s8 =	sld [smem:$0x3FB2]  }
0x2e: {  	s3 =	simm.s32 @!p0 $0x1082;
	s9 =	sld [smem:$0x3FB3]  }
0x2f: {  	lr =	sadd.s32 s0, s3;
	s0 =	sld [smem:$0x3FAA]  }
0x30: {  	s3 =	sld [smem:$0x3FAD]  }
0x31: {  	[smem:$0x3FB6] =	sst s10  }
0x32: {  	s10 =	sld [smem:$0x3FB4];
	_ =	sdelay $0x3  }
0x33: {  	p0 =	seq.s32 s10, $0x1;
	s10 =	sld [smem:$0x3FB6];
	_ =	sdelay $0x3  }
0x34: {  	[smem:$0x3FB6] =	sst s10  }
0x35: {  	s10 =	sld [smem:$0x3FB5];
	_ =	sdelay $0x3  }
0x36: {  	p1 =	seq.s32 s10, $0x1;
	s10 =	sld [smem:$0x3FB6];
	_ =	sdelay $0x3  }
0x37: {  	[smem:$0x3FB6] =	sst s10  }
0x38: {  	s10 =	sld [smem:$0x3FB7]  }
0x39: {  	_ = 	snop;
	(pc) =	sbr.ind lr, $3  }
0x3a: {  	_ = 	snop  }
0x3b: {  	_ = 	snop  }
0x3c: {  	p2 =	seq.s32 s10, $0x1;
	s10 =	sld [smem:$0x3FB6]  }
0x3d: {  	_ =	shalt  }
0x3e: {  	_ =	shalt  }
0x3f: {  	_ =	shalt  }
0x40: {  	_ =	shalt  }
0x41: {  	_ =	shalt  }
0x42: {  	_ =	shalt  }
0x43: {  	_ =	shalt  }
0x44: {  	_ =	shalt  }
0x45: {  	_ =	shalt  }
0x46: {  	_ =	shalt  }
0x47: {  	_ =	shalt  }
0x48: {  	_ =	shalt  }
0x49: {  	_ =	shalt  }
0x4a: {  	_ =	shalt  }
0x4b: {  	_ =	shalt  }
0x4c: {  	_ =	shalt  }
0x4d: {  	_ =	shalt  }
0x4e: {  	_ =	shalt  }
0x4f: {  	_ =	shalt  }
0x50: {  	_ =	shalt  }
0x51: {  	_ =	shalt  }
0x52: {  	_ =	shalt  }
0x53: {  	_ =	shalt  }
0x54: {  	_ =	shalt  }
0x55: {  	_ =	shalt  }
0x56: {  	_ =	shalt  }
0x57: {  	_ =	shalt  }
0x58: {  	_ =	shalt  }
0x59: {  	_ =	shalt  }
0x5a: {  	_ =	shalt  }
0x5b: {  	_ =	shalt  }
0x5c: {  	_ =	shalt  }
0x5d: {  	_ =	shalt  }
0x5e: {  	_ =	shalt  }
0x5f: {  	_ =	shalt  }
0x60: {  	_ =	shalt  }
0x61: {  	_ =	shalt  }
0x62: {  	_ =	shalt  }
0x63: {  	_ =	shalt  }
0x64: {  	_ =	shalt  }
0x65: {  	_ =	shalt  }
0x66: {  	_ =	shalt  }
0x67: {  	_ =	shalt  }
0x68: {  	_ =	shalt  }
0x69: {  	_ =	shalt  }
0x6a: {  	_ =	shalt  }
0x6b: {  	_ =	shalt  }
0x6c: {  	_ =	shalt  }
0x6d: {  	_ =	shalt  }
0x6e: {  	_ =	shalt  }
0x6f: {  	_ =	shalt  }
0x70: {  	_ =	shalt  }
0x71: {  	_ =	shalt  }
0x72: {  	_ =	shalt  }
0x73: {  	_ =	shalt  }
0x74: {  	_ =	shalt  }
0x75: {  	_ =	shalt  }
0x76: {  	_ =	shalt  }
0x77: {  	_ =	shalt  }
0x78: {  	_ =	shalt  }
0x79: {  	_ =	shalt  }
0x7a: {  	_ =	shalt  }
0x7b: {  	_ =	shalt  }
0x7c: {  	_ =	shalt  }
0x7d: {  	_ =	shalt  }
0x7e: {  	_ =	shalt  }
0x7f: {  	_ =	shalt  }
0x80: {  	_ =	shalt  }
0x81: {  	_ =	shalt  }
0x82: {  	_ =	shalt  }
0x83: {  	_ =	shalt  }
0x84: {  	_ =	shalt  }
0x85: {  	_ =	shalt  }
0x86: {  	_ =	shalt  }
0x87: {  	_ =	shalt  }
.Lfunc_end0:
.L_simem_size_0:
called_computation_lowered:
.L_overlay_start_0:
0x88: {  	s2 =	sld [smem:$0x3FD9]  }
0x89: {  	s3 =	sld [smem:$0x3FFE];
	_ =	sdelay $0x1  }
0x8a: {  	s1 =	srdreg.scid  }
0x8b: {  	s0 =	sand.u32 $0x1, s1  }
0x8c: {  	s17 =	sshll.u32 s0, $0xA;
	s2 =	sadd.s32 s3, s2  }
0x8d: {  	s2 =	sadd.s32 s2, s17  }
0x8e: {  	[smem:$0x3FC2] =	sst s2  }
0x8f: {  	_ = 	snop  }
0x90: {  	s2 =	sld [smem:$0x3FC9]  }
0x91: {  	s18 =	sld [smem:$0x3FD0];
	(tm) =	ssettm $0x1  }
0x92: {  	s4 =	sld [smem:$0x3FFB];
	_ =	sdelay $0x3  }
0x93: {  	_ =	strace s4  }
0x94: {  	s4 =	sld [smem:$0x3FFC];
	_ =	sdelay $0x3  }
0x95: {  	_ =	strace s4  }
0x96: {  	s4 =	sld [smem:$0x3FFD];
	_ =	sdelay $0x3  }
0x97: {  	_ =	strace s4  }
0x98: {  	_ =	strace $0x8FFFFFFF  }
0x99: {  	s19 =	sld [smem:$0x3FDB];
	_ =	sdelay $0x1  }
0x9a: {  	s5 =	simm.s32 $_scs_section_size  }
0x9b: {  	s6 =	simm.s32 $_size__tile_overlayer_lowered;
	s7 =	simm.s32 $_tile_overlayer_lowered  }
0x9c: {  	s22 =	simm.s32 $0x1BFF;
	s21 =	sshll.u32 s7, $0x1;
	s4 =	sadd.s32 s5, s19  }
0x9d: {  	s8 =	simm.s32 $0x0;
	s20 =	sshll.u32 s6, $0x1;
	s6 =	sadd.s32 s21, s4  }
0x9e: {  	[timem:s8], [sflag:s22] =	dma.local [hbm:s6], s20  }
0x9f: {  	_ =	swait.ge [sflag:s22], s20  }
0xa0: {  	s5 =	ssub.s32 $0x0, s20;
	[sflag:s22] =	ssyncset.done $0x0  }
0xa1: {  	[sflag:s22] =	ssyncadd.s32 s5;
	_ =	sdelay $0x1  }
0xa2: {  	s23 =	simm.s32 $0x1B8B  }
0xa3: {  	_ =	swait.ge [sflag:s23], $0x1  }
0xa4: {  	[sflag:s23] =	ssyncset.done $0x0  }
0xa5: {  	s25 =	simm.s32 $0x1B8E;
	s24 =	sld [smem:$0x3FFE];
	[sflag:s23] =	ssyncadd.s32 $0xFFFFFFFF  }
0xa6: {  	s26 =	simm.s32 $execute0_lowered;
	[smem:$0x3FD2] =	sst s25  }
0xa7: {  	s6 =	sshll.u32 s26, $0x1;
	_ =	strace $0x80000046;
	[dreg:$0x1] =	wrdreg $0xFFFFFFFF  }
0xa8: {  	s28 =	simm.s32 $_size_execute0_lowered;
	s4 =	sadd.s32 s4, s6;
	[dreg:$0x0] =	wrdreg $0x0  }
0xa9: {  	s6 =	sshll.u32 s28, $0x1;
	[dreg:$0x2] =	wrdreg s4  }
0xaa: {  	[dreg:$0x3] =	wrdreg s6  }
0xab: {  	[dreg:$0x4] =	wrdreg $0xC0  }
0xac: {  	_ =	task [dreg:s8], $0x5FFFF  }
0xad: {  	[dreg:$0x1] =	wrdreg $0xFFFFFFFF  }
0xae: {  	[dreg:$0x0] =	wrdreg $0x60  }
0xaf: {  	[dreg:$0x2] =	wrdreg s2  }
0xb0: {  	[dreg:$0x3] =	wrdreg s24  }
0xb1: {  	[dreg:$0x4] =	wrdreg s18  }
0xb2: {  	[dreg:$0x5] =	wrdreg $0x7A000  }
0xb3: {  	[dreg:$0x6] =	wrdreg $0x9  }
0xb4: {  	_ =	task.clear_ibuf [dreg:s8], $0x7FFFF;
	_ =	strace $0x90000046  }
0xb5: {  	s29 =	simm.s32 $0x9;
	_ =	strace $0x80000048  }
0xb6: {  	_ =	swait.ge [sflag:s29], $0x1  }
0xb7: {  	[sflag:s29] =	ssyncadd.s32 $0xFFFFFFFF  }
0xb8: {  	_ =	strace $0x90000048  }
0xb9: {  	_ =	sfence  }
0xba: {  	s30 =	sld [smem:$0x0];
	_ =	sdelay $0x2  }
0xbb: {  	s31 =	sshll.u32 s1, $0xD;
	s1 =	sshrl.u32 s1, $0x2  }
0xbc: {  	s3 =	sand.u32 $0x4000, s31;
	s1 =	sadd.s32 s1, s30  }
0xbd: {  	s0 =	sor.u32 s3, s0;
	s1 =	sshll.u32 s1, $0x11  }
0xbe: {  	s0 =	sor.u32 s1, s0  }
0xbf: {  	s0 =	sadd.s32 $0x8F2B, s0  }
0xc0: {  	[sflag:s0] =	ssyncadd.remote.s32 $0x1  }
0xc1: {  	_ =	sfence.sel $0xFFFF  }
0xc2: {  	[dreg:$0x0] =	wrdreg $0xFFFFFFFF;
	(pc) =	sbr.abs _section_cstart, $3  }
0xc3: {  	[dreg:$0x1] =	wrdreg $0xFFFFFFFF  }
0xc4: {  	_ =	task.clear_ibuf [dreg:s8], $0x2FFFF;
	_ =	strace $0x9FFFFFFF  }
0xc5: {  	(tm) =	ssettm $0x7FFFFFFF  }
tec
execute0_lowered:
.L_overlay_start_1:
0x0: {  	(tag) =	ssettag $0x1  }
0x1: {  	s1 =	rddreg [dreg:$0x0]  }
0x2: {  	s7 =	rddreg [dreg:$0x1]  }
0x3: {  	s0 =	srdreg.scid;
	s8 =	rddreg [dreg:$0x2]  }
0x4: {  	s5 =	stileid.u32;
	s2 =	rddreg [dreg:$0x3]  }
0x5: {  	s11 =	sand.u32 $0x1, s0;
	s3 =	sshll.u32 s5, $0x1;
	s6 =	smul.u32 $0x270, s5  }
0x6: {  	s13 =	smul.u32 $0x13800, s5;
	s0 =	ssub.s32 $0x2, s11;
	s21 =	sor.u32 s11, s3  }
0x7: {  	s3 =	simm.s32 $0x0;
	s12 =	smul.u32 $0x138800, s11;
	s4 =	sshrl.u32 s0, $0x1  }
0x8: {  	s9 =	smul.u32 $0x500, s21;
	s19 =	sadd.s32 $0x50, s6;
	s18 =	sadd.s32 $0xA0, s6  }
0x9: {  	s17 =	sadd.s32 $0xF0, s6;
	s16 =	sadd.s32 $0x140, s6;
	s20 =	sadd.s32 $0x190, s6  }
0xa: {  	s10 =	sadd.s32 $0x1E0, s6;
	s23 =	sadd.s32 $0x230, s6;
	[smem:$0x7FF] =	sst s3  }
0xb: {  	s28 =	sadd.s32 $0x80, s6;
	s29 =	sadd.s32 $0x90, s6;
	[dreg:$0xe] =	wrdreg s20  }
0xc: {  	s30 =	sadd.s32 $0xB0, s6;
	s31 =	sadd.s32 $0xC0, s6;
	[dreg:$0xd] =	wrdreg s10  }
0xd: {  	s0 =	ssub.s32 s0, s4;
	[dreg:$0xc] =	wrdreg s23;
	s24 =	sshll.u32 s19, $0x7  }
0xe: {  	s25 =	sshll.u32 s18, $0x7;
	s14 =	sshll.u32 s17, $0x7;
	s15 =	sshll.u32 s16, $0x7  }
0xf: {  	v39 =	vlaneseq.u32;
	s20 =	sshll.u32 s20, $0x7;
	s22 =	sshll.u32 s10, $0x7;
	s23 =	sshll.u32 s23, $0x7  }
0x10: {  	v4 =	vor.u32 s19, v39;
	s19 =	sadd.s32 $0x130, s6;
	v7 =	vor.u32 s28, v39;
	v8 =	vor.u32 s29, v39;
	s28 =	sadd.s32 $0x180, s6;
	s29 =	sadd.s32 $0x1A0, s6  }
0x11: {  	v9 =	vor.u32 s18, v39;
	v10 =	vor.u32 s30, v39;
	v11 =	vor.u32 s31, v39;
	s30 =	sadd.s32 $0x1B0, s6;
	s31 =	sadd.s32 $0x1C0, s6;
	s18 =	sadd.s32 $0x210, s6  }
0x12: {  	[dreg:$0xb] =	wrdreg s0;
	s26 =	sadd.s32 s8, s9;
	s0 =	sadd.s32 s13, s12  }
0x13: {  	s9 =	sadd.s32 s12, s24;
	s13 =	sadd.s32 s12, s25;
	s14 =	sadd.s32 s12, s14  }
0x14: {  	s15 =	sadd.s32 s12, s15;
	s20 =	sadd.s32 s12, s20;
	s22 =	sadd.s32 s12, s22  }
0x15: {  	s23 =	sadd.s32 s12, s23;
	s24 =	sadd.s32 $0x14800, s7;
	v18 =	vor.u32 s19, v39;
	s19 =	sadd.s32 $0x260, s6  }
0x16: {  	v24 =	vor.u32 s28, v39;
	v26 =	vor.u32 s29, v39;
	v27 =	vor.u32 s30, v39;
	s28 =	simm.s32 $0x4;
	s29 =	simm.s32 $0x5200;
	s30 =	simm.s32 $0x100  }
0x17: {  	v28 =	vor.u32 s31, v39;
	s31 =	simm.s32 $0x180;
	[dreg:$0x5] =	wrdreg s26;
	s8 =	sshrl.u32 s0, $0x3  }
0x18: {  	s4 =	sshrl.u32 s9, $0x3;
	s10 =	sshrl.u32 s13, $0x3;
	s12 =	sshrl.u32 s14, $0x3  }
0x19: {  	s25 =	sshrl.u32 s15, $0x3;
	s15 =	sadd.s32 $0xC00, s7;
	s0 =	sadd.s32 $0x40, s6  }
0x1a: {  	s26 =	sadd.s32 s24, s8;
	s9 =	sadd.s32 s24, s4;
	s13 =	sadd.s32 s24, s10  }
0x1b: {  	s14 =	sadd.s32 s24, s12;
	s8 =	smul.u32 $0x2710, s11;
	[dreg:$0x6] =	wrdreg s26  }
0x1c: {  	s4 =	sshrl.u32 s20, $0x3;
	s10 =	smul.u32 $0x4E20, s5;
	[dreg:$0x7] =	wrdreg s9  }
0x1d: {  	s20 =	sshrl.u32 s23, $0x3;
	s23 =	sadd.s32 $0x20, s6;
	[dreg:$0x8] =	wrdreg s13  }
0x1e: {  	v3 =	vor.u32 s0, v39;
	s5 =	sadd.s32 $0x1D0, s6;
	s0 =	sadd.s32 $0x1F0, s6;
	[dreg:$0x9] =	wrdreg s14  }
0x1f: {  	s26 =	sadd.s32 s24, s25;
	s11 =	sadd.s32 s24, s4;
	s9 =	sshrl.u32 s22, $0x3  }
0x20: {  	s13 =	sadd.s32 s24, s20;
	s14 =	sadd.s32 $0xAA00, s7;
	s7 =	smul.u32 $0x2710, s21  }
0x21: {  	s22 =	sadd.s32 $0x10, s6;
	s25 =	sadd.s32 $0x60, s6;
	s4 =	sadd.s32 $0xD0, s6  }
0x22: {  	v1 =	vor.u32 s23, v39;
	s23 =	sadd.s32 $0x100, s6;
	v31 =	vor.u32 s0, v39;
	s0 =	simm.s32 $0x1;
	[dreg:$0xa] =	wrdreg s26  }
0x23: {  	s12 =	sadd.s32 s24, s9;
	s20 =	sadd.s32 s8, s10;
	s24 =	sadd.s32 $0x30, s6  }
0x24: {  	s26 =	sadd.s32 $0x70, s6;
	s8 =	sadd.s32 $0xE0, s6;
	s9 =	sadd.s32 $0x110, s6  }
0x25: {  	s10 =	sadd.s32 $0x120, s6;
	v5 =	vor.u32 s25, v39;
	s25 =	sadd.s32 $0x160, s6;
	v12 =	vor.u32 s4, v39;
	s4 =	sadd.s32 $0x200, s6  }
0x26: {  	v0 =	vor.u32 s22, v39;
	s22 =	simm.s32 $0x50;
	_ =	strace $0x80000047;
	v2 =	vor.u32 s24, v39;
	s24 =	sadd.s32 $0x150, s6  }
0x27: {  	v6 =	vor.u32 s26, v39;
	s26 =	sadd.s32 $0x170, s6;
	[dreg:$0xf] =	wrdreg s18;
	v17 =	vor.u32 s10, v39;
	s10 =	sadd.s32 $0x220, s6  }
0x28: {  	v20 =	vor.u32 s6, v39;
	v13 =	vor.u32 s8, v39;
	v16 =	vor.u32 s9, v39;
	s8 =	sadd.s32 $0x240, s6;
	s9 =	sadd.s32 $0x250, s6;
	s6 =	sadd.s32 $0x270, s6  }
0x29: {  	v15 =	vor.u32 s23, v39;
	s7 =	sshrl.u32 s7, $0x3;
	s23 =	sadd.s32 $0x50, s20;
	v21 =	vor.u32 s24, v39;
	s24 =	rddreg [dreg:$0xe]  }
0x2a: {  	v19 =	vor.u32 s16, v39;
	v22 =	vor.u32 s25, v39;
	v32 =	vor.u32 s4, v39;
	s4 =	simm.s32 $0x2;
	s16 =	sadd.s32 s14, s7;
	s25 =	rddreg [dreg:$0xb]  }
0x2b: {  	v14 =	vor.u32 s17, v39;
	v23 =	vor.u32 s26, v39;
	s17 =	sadd.s32 s15, s7;
	s7 =	sadd.s32 $0xA0, s20;
	s26 =	rddreg [dreg:$0xd]  }
0x2c: {  	v40 =	vimm.f32 $0.0e+00;
	v41 =	vimm.f32 $1.000000000e+00;
	v29 =	vor.u32 s5, v39;
	s21 =	sshrl.u32 s23, $0x3;
	s23 =	simm.s32 $0x200;
	s5 =	rddreg [dreg:$0xf]  }
0x2d: {  	v38 =	vor.u32 s19, v39;
	v34 =	vor.u32 s10, v39;
	v36 =	vor.u32 s8, v39;
	s10 =	simm.s32 $0x2A00;
	s18 =	smax.u32 s25, $0x1;
	s20 =	sadd.s32 s21, s15  }
0x2e: {  	v37 =	vor.u32 s9, v39;
	v25 =	vor.u32 s24, v39;
	s21 =	sadd.s32 s21, s14;
	v30 =	vor.u32 s26, v39;
	s24 =	simm.s32 $0x5;
	s26 =	rddreg [dreg:$0xc]  }
0x2f: {  	s25 =	simm.s32 $0x80;
	v33 =	vor.u32 s5, v39;
	s5 =	simm.s32 $0x0;
	v35 =	vor.u32 s26, v39;
	s26 =	simm.s32 $0x3;
	v39 =	vor.u32 s6, v39  }
.LBB2_1:
0x30: {  	s6 =	simm.s32 $0x0  }
.LBB2_2:
0x31: {  	p0 =	sne.s32 s6, $0x9FC0  }
.Ltmp0:
0x32: {  	_ = 	snop;
	(pc) =	sbr.rel @p0 .LBB2_2-.Ltmp0, $3  }
0x33: {  	_ =	sdelay $0x1  }
0x34: {  	s19 =	sshra.s32 s6, $0x2  }
0x35: {  	s6 =	sadd.s32 $0x40, s6;
	[tilespmem:s19+$0x5200] =	vst v40  }
0x36: {  	s6 =	simm.s32 $0x0;
	s19 =	simm.s32 $0x200  }
.LBB2_4:
0x37: {  	p0 =	sne.s32 s19, $0x9E00;
	[tilespmem:s6+$0x270] =	vst v40  }
0x38: {  	[tilespmem:s6+$0x200] =	vst v40  }
0x39: {  	[tilespmem:s6+$0x210] =	vst v40  }
.Ltmp1:
0x3a: {  	[tilespmem:s6+$0x220] =	vst v40;
	(pc) =	sbr.rel @p0 .LBB2_4-.Ltmp1, $4  }
0x3b: {  	[tilespmem:s6+$0x230] =	vst v40  }
0x3c: {  	[tilespmem:s6+$0x240] =	vst v40  }
0x3d: {  	[tilespmem:s6+$0x250] =	vst v40  }
0x3e: {  	[tilespmem:s6+$0x260] =	vst v40;
	s6 =	sshra.s32 s19, $0x2;
	s19 =	sadd.s32 $0x200, s19  }
0x3f: {  	[tilespmem:s6+$0x270] =	vst v40  }
0x40: {  	[tilespmem:s6+$0x200] =	vst v40  }
0x41: {  	[tilespmem:s6+$0x210] =	vst v40  }
0x42: {  	[tilespmem:s6+$0x220] =	vst v40  }
0x43: {  	[tilespmem:s6+$0x230] =	vst v40  }
0x44: {  	[tilespmem:s6+$0x240] =	vst v40  }
0x45: {  	[tilespmem:s6+$0x250] =	vst v40  }
0x46: {  	[tilespmem:s6+$0x260] =	vst v40  }
0x47: {  	[tilespmem:$0x0] =	vst v20  }
0x48: {  	[tilespmem:$0x10] =	vst v0  }
0x49: {  	[tilespmem:$0x20] =	vst v1  }
0x4a: {  	[tilespmem:$0x30] =	vst v2  }
0x4b: {  	s6 =	simm.s32 $0x0;
	[tilespmem:$0x40] =	vst v3  }
0x4c: {  	[spmem:s2] =	stream.indirect.scatter [tilespmem:s23], [sflag:$0x5], $0x80, s6, s22, $0xb8;
	[tilespmem:$0x1B280] =	vst v63  }
0x4d: {  	_ =	swait.ge [sflag:s24], $0x2800  }
0x4e: {  	[sflag:s24] =	ssyncset.done $0x0  }
0x4f: {  	[sflag:s24] =	ssyncadd.s32 $0xFFFFD800  }
0x50: {  	[tilespmem:$0x0] =	vst v4  }
0x51: {  	[tilespmem:$0x10] =	vst v5  }
0x52: {  	[tilespmem:$0x20] =	vst v6  }
0x53: {  	[tilespmem:$0x30] =	vst v7  }
0x54: {  	[tilespmem:$0x40] =	vst v8  }
0x55: {  	[spmem:s2] =	stream.indirect.scatter [tilespmem:s23], [sflag:$0x5], $0x80, s6, s22, $0xb8;
	[tilespmem:$0x1B280] =	vst v63  }
0x56: {  	_ =	swait.ge [sflag:s24], $0x2800  }
0x57: {  	[sflag:s24] =	ssyncset.done $0x0  }
0x58: {  	[sflag:s24] =	ssyncadd.s32 $0xFFFFD800  }
0x59: {  	[tilespmem:$0x0] =	vst v9  }
0x5a: {  	[tilespmem:$0x10] =	vst v10  }
0x5b: {  	[tilespmem:$0x20] =	vst v11  }
0x5c: {  	[tilespmem:$0x30] =	vst v12  }
0x5d: {  	[tilespmem:$0x40] =	vst v13  }
0x5e: {  	[spmem:s2] =	stream.indirect.scatter [tilespmem:s23], [sflag:$0x5], $0x80, s6, s22, $0xb8;
	[tilespmem:$0x1B280] =	vst v63  }
0x5f: {  	_ =	swait.ge [sflag:s24], $0x2800  }
0x60: {  	[sflag:s24] =	ssyncset.done $0x0  }
0x61: {  	[sflag:s24] =	ssyncadd.s32 $0xFFFFD800  }
0x62: {  	[tilespmem:$0x0] =	vst v14  }
0x63: {  	[tilespmem:$0x10] =	vst v15  }
0x64: {  	[tilespmem:$0x20] =	vst v16  }
0x65: {  	[tilespmem:$0x30] =	vst v17  }
0x66: {  	[tilespmem:$0x40] =	vst v18  }
0x67: {  	[spmem:s2] =	stream.indirect.scatter [tilespmem:s23], [sflag:$0x5], $0x80, s6, s22, $0xb8;
	[tilespmem:$0x1B280] =	vst v63  }
0x68: {  	_ =	swait.ge [sflag:s24], $0x2800  }
0x69: {  	[sflag:s24] =	ssyncset.done $0x0  }
0x6a: {  	[sflag:s24] =	ssyncadd.s32 $0xFFFFD800  }
0x6b: {  	[tilespmem:$0x0] =	vst v19  }
0x6c: {  	[tilespmem:$0x10] =	vst v21  }
0x6d: {  	[tilespmem:$0x20] =	vst v22  }
0x6e: {  	[tilespmem:$0x30] =	vst v23  }
0x6f: {  	[tilespmem:$0x40] =	vst v24  }
0x70: {  	[spmem:s2] =	stream.indirect.scatter [tilespmem:s23], [sflag:$0x5], $0x80, s6, s22, $0xb8;
	[tilespmem:$0x1B280] =	vst v63  }
0x71: {  	_ =	swait.ge [sflag:s24], $0x2800  }
0x72: {  	[sflag:s24] =	ssyncset.done $0x0  }
0x73: {  	[sflag:s24] =	ssyncadd.s32 $0xFFFFD800  }
0x74: {  	[tilespmem:$0x0] =	vst v25  }
0x75: {  	[tilespmem:$0x10] =	vst v26  }
0x76: {  	[tilespmem:$0x20] =	vst v27  }
0x77: {  	[tilespmem:$0x30] =	vst v28  }
0x78: {  	[tilespmem:$0x40] =	vst v29  }
0x79: {  	[spmem:s2] =	stream.indirect.scatter [tilespmem:s23], [sflag:$0x5], $0x80, s6, s22, $0xb8;
	[tilespmem:$0x1B280] =	vst v63  }
0x7a: {  	_ =	swait.ge [sflag:s24], $0x2800  }
0x7b: {  	[sflag:s24] =	ssyncset.done $0x0  }
0x7c: {  	[sflag:s24] =	ssyncadd.s32 $0xFFFFD800  }
0x7d: {  	[tilespmem:$0x0] =	vst v30  }
0x7e: {  	[tilespmem:$0x10] =	vst v31  }
0x7f: {  	[tilespmem:$0x20] =	vst v32  }
0x80: {  	[tilespmem:$0x30] =	vst v33  }
0x81: {  	[tilespmem:$0x40] =	vst v34  }
0x82: {  	[spmem:s2] =	stream.indirect.scatter [tilespmem:s23], [sflag:$0x5], $0x80, s6, s22, $0xb8;
	[tilespmem:$0x1B280] =	vst v63  }
0x83: {  	_ =	swait.ge [sflag:s24], $0x2800  }
0x84: {  	[sflag:s24] =	ssyncset.done $0x0  }
0x85: {  	[sflag:s24] =	ssyncadd.s32 $0xFFFFD800  }
0x86: {  	[tilespmem:$0x0] =	vst v35  }
0x87: {  	[tilespmem:$0x10] =	vst v36  }
0x88: {  	[tilespmem:$0x20] =	vst v37  }
0x89: {  	[tilespmem:$0x30] =	vst v38  }
0x8a: {  	[tilespmem:$0x40] =	vst v39  }
0x8b: {  	[spmem:s2] =	stream.indirect.scatter [tilespmem:s23], [sflag:$0x5], $0x80, s6, s22, $0xb8;
	[tilespmem:$0x1B280] =	vst v63  }
0x8c: {  	_ =	swait.ge [sflag:s24], $0x2800  }
0x8d: {  	[sflag:s24] =	ssyncset.done $0x0  }
0x8e: {  	[sflag:s24] =	ssyncadd.s32 $0xFFFFD800  }
0x8f: {  	[bflag:$0x0] =	sbarrier.arrive $0xFFFF  }
0x90: {  	[tilespmem:s6], [sflag:$0x3] =	stream.linear.gather [hbm4b:s16+s6], $0x50, $0x38;
	[tilespmem:$0x1B280] =	vst v63  }
0x91: {  	_ = 	snop  }
0x92: {  	[tilespmem:s25], [sflag:$0x4] =	stream.linear.gather [hbm4b:s17+s6], $0x50, $0x38;
	[tilespmem:$0x1B280] =	vst v63  }
0x93: {  	_ =	swait.ge [sflag:s26], $0x50  }
0x94: {  	[sflag:s26] =	ssyncset.done $0x0  }
0x95: {  	[sflag:s26] =	ssyncadd.s32 $0xFFFFFFB0  }
0x96: {  	_ =	swait.ge [sflag:s28], $0x50  }
0x97: {  	[sflag:s28] =	ssyncset.done $0x0  }
0x98: {  	[sflag:s28] =	ssyncadd.s32 $0xFFFFFFB0  }
0x99: {  	[tilespmem:s23], [sflag:$0x1] =	stream.indirect.gather [hbm4b:s1+s22], $0x80, s6, s22, $0xb8;
	[tilespmem:$0x1B280] =	vst v63  }
0x9a: {  	v42 =	vld [tilespmem:$0x80];
	_ =	sdelay $0x7  }
0x9b: {  	[tilespmem:v42+s29+$0x0] =	vst.idx.add.f32.msk $0xffff, v41  }
0x9c: {  	v42 =	vld [tilespmem:$0x90];
	_ =	sdelay $0x7  }
0x9d: {  	[tilespmem:v42+s29+$0x0] =	vst.idx.add.f32.msk $0xffff, v41  }
0x9e: {  	v42 =	vld [tilespmem:$0xA0];
	_ =	sdelay $0x7  }
0x9f: {  	[tilespmem:v42+s29+$0x0] =	vst.idx.add.f32.msk $0xffff, v41  }
0xa0: {  	v42 =	vld [tilespmem:$0xB0];
	_ =	sdelay $0x7  }
0xa1: {  	[tilespmem:v42+s29+$0x0] =	vst.idx.add.f32.msk $0xffff, v41  }
0xa2: {  	v42 =	vld [tilespmem:$0xC0];
	_ =	sdelay $0x7  }
0xa3: {  	s19 =	smov.u32 s7;
	[tilespmem:v42+s29+$0x0] =	vst.idx.add.f32.msk $0xffff, v41  }
.LBB2_6:
0xa4: {  	s8 =	sadd.s32 s6, s21  }
0xa5: {  	[tilespmem:s30], [sflag:$0x3] =	stream.linear.gather [hbm4b:s8+s3], $0x50, $0x38;
	[tilespmem:$0x1B280] =	vst v63  }
0xa6: {  	s9 =	sadd.s32 s6, s20  }
0xa7: {  	[tilespmem:s31], [sflag:$0x4] =	stream.linear.gather [hbm4b:s9+s3], $0x50, $0x38;
	[tilespmem:$0x1B280] =	vst v63  }
0xa8: {  	_ =	swait.ge [sflag:s26], $0x50  }
0xa9: {  	[sflag:s26] =	ssyncset.done $0x0  }
0xaa: {  	[sflag:s26] =	ssyncadd.s32 $0xFFFFFFB0  }
0xab: {  	_ =	swait.ge [sflag:s28], $0x50  }
0xac: {  	[sflag:s28] =	ssyncset.done $0x0  }
0xad: {  	[sflag:s28] =	ssyncadd.s32 $0xFFFFFFB0  }
0xae: {  	[tilespmem:s10], [sflag:$0x2] =	stream.indirect.gather [hbm4b:s1+s22], $0x80, s30, s22, $0xb8;
	[tilespmem:$0x1B280] =	vst v63  }
0xaf: {  	v42 =	vld [tilespmem:$0x180];
	_ =	sdelay $0x7  }
0xb0: {  	[tilespmem:v42+s29+$0x0] =	vst.idx.add.f32.msk $0xffff, v41  }
0xb1: {  	v42 =	vld [tilespmem:$0x190];
	_ =	sdelay $0x7  }
0xb2: {  	[tilespmem:v42+s29+$0x0] =	vst.idx.add.f32.msk $0xffff, v41  }
0xb3: {  	v42 =	vld [tilespmem:$0x1A0];
	_ =	sdelay $0x7  }
0xb4: {  	[tilespmem:v42+s29+$0x0] =	vst.idx.add.f32.msk $0xffff, v41  }
0xb5: {  	v42 =	vld [tilespmem:$0x1B0];
	_ =	sdelay $0x7  }
0xb6: {  	[tilespmem:v42+s29+$0x0] =	vst.idx.add.f32.msk $0xffff, v41  }
0xb7: {  	v42 =	vld [tilespmem:$0x1C0];
	_ =	sdelay $0x7  }
0xb8: {  	[tilespmem:v42+s29+$0x0] =	vst.idx.add.f32.msk $0xffff, v41  }
0xb9: {  	_ =	swait.ge [sflag:s0], $0x2800  }
0xba: {  	[sflag:s0] =	ssyncset.done $0x0  }
0xbb: {  	[sflag:s0] =	ssyncadd.s32 $0xFFFFD800  }
0xbc: {  	[spmem:s2] =	stream.indirect.scatter.add.f32 [tilespmem:s23], [sflag:$0x5], $0x80, s25, s22, $0xb8;
	[tilespmem:$0x1B280] =	vst v63  }
0xbd: {  	_ =	swait.ge [sflag:s24], $0x2800  }
0xbe: {  	s8 =	sshrl.u32 s19, $0x3;
	[sflag:s24] =	ssyncset.done $0x0  }
0xbf: {  	s9 =	sadd.s32 s14, s8;
	[sflag:s24] =	ssyncadd.s32 $0xFFFFD800  }
0xc0: {  	[tilespmem:s3], [sflag:$0x3] =	stream.linear.gather [hbm4b:s9+s3], $0x50, $0x38;
	[tilespmem:$0x1B280] =	vst v63  }
0xc1: {  	s8 =	sadd.s32 s15, s8  }
0xc2: {  	[tilespmem:s25], [sflag:$0x4] =	stream.linear.gather [hbm4b:s8+s3], $0x50, $0x38;
	[tilespmem:$0x1B280] =	vst v63  }
0xc3: {  	_ =	swait.ge [sflag:s26], $0x50  }
0xc4: {  	[sflag:s26] =	ssyncset.done $0x0  }
0xc5: {  	[sflag:s26] =	ssyncadd.s32 $0xFFFFFFB0  }
0xc6: {  	_ =	swait.ge [sflag:s28], $0x50  }
0xc7: {  	[sflag:s28] =	ssyncset.done $0x0  }
0xc8: {  	[sflag:s28] =	ssyncadd.s32 $0xFFFFFFB0  }
0xc9: {  	[tilespmem:s23], [sflag:$0x1] =	stream.indirect.gather [hbm4b:s1+s22], $0x80, s3, s22, $0xb8;
	[tilespmem:$0x1B280] =	vst v63  }
0xca: {  	v63 =	vld [tilespmem:$0x80];
	_ =	sdelay $0x7  }
0xcb: {  	[tilespmem:v63+s29+$0x0] =	vst.idx.add.f32.msk $0xffff, v41  }
0xcc: {  	v42 =	vld [tilespmem:$0x90];
	_ =	sdelay $0x7  }
0xcd: {  	[tilespmem:v42+s29+$0x0] =	vst.idx.add.f32.msk $0xffff, v41  }
0xce: {  	v42 =	vld [tilespmem:$0xA0];
	_ =	sdelay $0x7  }
0xcf: {  	[tilespmem:v42+s29+$0x0] =	vst.idx.add.f32.msk $0xffff, v41  }
0xd0: {  	v42 =	vld [tilespmem:$0xB0];
	_ =	sdelay $0x7  }
0xd1: {  	[tilespmem:v42+s29+$0x0] =	vst.idx.add.f32.msk $0xffff, v41  }
0xd2: {  	v42 =	vld [tilespmem:$0xC0];
	_ =	sdelay $0x7  }
0xd3: {  	[tilespmem:v42+s29+$0x0] =	vst.idx.add.f32.msk $0xffff, v41  }
0xd4: {  	_ =	swait.ge [sflag:s4], $0x2800  }
0xd5: {  	p0 =	sne.s32 s6, $0x4C4;
	[sflag:s4] =	ssyncset.done $0x0  }
.Ltmp2:
0xd6: {  	[sflag:s4] =	ssyncadd.s32 $0xFFFFD800;
	(pc) =	sbr.rel @p0 .LBB2_6-.Ltmp2, $4  }
0xd7: {  	[spmem:s2] =	stream.indirect.scatter.add.f32 [tilespmem:s10], [sflag:$0x5], $0x80, s31, s22, $0xb8;
	[tilespmem:$0x1B280] =	vst v63  }
0xd8: {  	_ =	swait.ge [sflag:s24], $0x2800  }
0xd9: {  	[sflag:s24] =	ssyncset.done $0x0  }
0xda: {  	s6 =	sadd.s32 $0x14, s6;
	s19 =	sadd.s32 $0xA0, s19;
	[sflag:s24] =	ssyncadd.s32 $0xFFFFD800  }
0xdb: {  	_ =	swait.ge [sflag:s0], $0x2800  }
0xdc: {  	[sflag:s0] =	ssyncset.done $0x0  }
0xdd: {  	[sflag:s0] =	ssyncadd.s32 $0xFFFFD800  }
0xde: {  	[spmem:s2] =	stream.indirect.scatter.add.f32 [tilespmem:s23], [sflag:$0x5], $0x80, s25, s22, $0xb8;
	[tilespmem:$0x1B280] =	vst v63  }
0xdf: {  	_ =	swait.ge [sflag:s24], $0x2800  }
0xe0: {  	[sflag:s24] =	ssyncset.done $0x0  }
0xe1: {  	s6 =	rddreg [dreg:$0x5];
	[sflag:s24] =	ssyncadd.s32 $0xFFFFD800  }
0xe2: {  	[hbm4b:s6+s3] =	stream.linear.scatter [tilespmem:s29], [sflag:$0x5], $0x2800, $0x38;
	[tilespmem:$0x1B280] =	vst v63  }
0xe3: {  	_ =	swait.ge [sflag:s24], $0x2800  }
0xe4: {  	[sflag:s24] =	ssyncset.done $0x0  }
0xe5: {  	[sflag:s24] =	ssyncadd.s32 $0xFFFFD800  }
0xe6: {  	[bflag:$0x0] =	sbarrier.arrive $0xFFFF  }
0xe7: {  	[tilespmem:$0x0] =	vst v20  }
0xe8: {  	[tilespmem:$0x10] =	vst v0  }
0xe9: {  	[tilespmem:$0x20] =	vst v1  }
0xea: {  	[tilespmem:$0x30] =	vst v2  }
0xeb: {  	[tilespmem:$0x40] =	vst v3  }
0xec: {  	[tilespmem:s23], [sflag:$0x1] =	stream.indirect.gather [spmem:s2], $0x80, s3, s22, $0xb8;
	[tilespmem:$0x1B280] =	vst v63  }
0xed: {  	[tilespmem:$0x100] =	vst v4  }
0xee: {  	[tilespmem:$0x110] =	vst v5  }
0xef: {  	[tilespmem:$0x120] =	vst v6  }
0xf0: {  	[tilespmem:$0x130] =	vst v7  }
0xf1: {  	[tilespmem:$0x140] =	vst v8  }
0xf2: {  	[tilespmem:s10], [sflag:$0x2] =	stream.indirect.gather [spmem:s2], $0x80, s30, s22, $0xb8;
	[tilespmem:$0x1B280] =	vst v63  }
0xf3: {  	_ =	swait.ge [sflag:s0], $0x2800  }
0xf4: {  	[sflag:s0] =	ssyncset.done $0x0  }
0xf5: {  	s9 =	rddreg [dreg:$0x6];
	[sflag:s0] =	ssyncadd.s32 $0xFFFFD800  }
0xf6: {  	[hbm4b:s9+s3] =	stream.linear.scatter [tilespmem:s23], [sflag:$0x5], $0x2800, $0x38;
	[tilespmem:$0x1B280] =	vst v63  }
0xf7: {  	_ =	swait.ge [sflag:s24], $0x2800  }
0xf8: {  	[sflag:s24] =	ssyncset.done $0x0  }
0xf9: {  	[sflag:s24] =	ssyncadd.s32 $0xFFFFD800  }
0xfa: {  	[tilespmem:$0x0] =	vst v9  }
0xfb: {  	[tilespmem:$0x10] =	vst v10  }
0xfc: {  	[tilespmem:$0x20] =	vst v11  }
0xfd: {  	[tilespmem:$0x30] =	vst v12  }
0xfe: {  	[tilespmem:$0x40] =	vst v13  }
0xff: {  	[tilespmem:s23], [sflag:$0x1] =	stream.indirect.gather [spmem:s2], $0x80, s3, s22, $0xb8;
	[tilespmem:$0x1B280] =	vst v63  }
0x100: {  	_ =	swait.ge [sflag:s4], $0x2800  }
0x101: {  	[sflag:s4] =	ssyncset.done $0x0  }
0x102: {  	s19 =	rddreg [dreg:$0x7];
	[sflag:s4] =	ssyncadd.s32 $0xFFFFD800  }
0x103: {  	[hbm4b:s19+s3] =	stream.linear.scatter [tilespmem:s10], [sflag:$0x5], $0x2800, $0x38;
	[tilespmem:$0x1B280] =	vst v63  }
0x104: {  	_ =	swait.ge [sflag:s24], $0x2800  }
0x105: {  	[sflag:s24] =	ssyncset.done $0x0  }
0x106: {  	[sflag:s24] =	ssyncadd.s32 $0xFFFFD800  }
0x107: {  	[tilespmem:$0x100] =	vst v14  }
0x108: {  	[tilespmem:$0x110] =	vst v15  }
0x109: {  	[tilespmem:$0x120] =	vst v16  }
0x10a: {  	[tilespmem:$0x130] =	vst v17  }
0x10b: {  	[tilespmem:$0x140] =	vst v18  }
0x10c: {  	[tilespmem:s10], [sflag:$0x2] =	stream.indirect.gather [spmem:s2], $0x80, s30, s22, $0xb8;
	[tilespmem:$0x1B280] =	vst v63  }
0x10d: {  	_ =	swait.ge [sflag:s0], $0x2800  }
0x10e: {  	[sflag:s0] =	ssyncset.done $0x0  }
0x10f: {  	s8 =	rddreg [dreg:$0x8];
	[sflag:s0] =	ssyncadd.s32 $0xFFFFD800  }
0x110: {  	[hbm4b:s8+s3] =	stream.linear.scatter [tilespmem:s23], [sflag:$0x5], $0x2800, $0x38;
	[tilespmem:$0x1B280] =	vst v63  }
0x111: {  	_ =	swait.ge [sflag:s24], $0x2800  }
0x112: {  	[sflag:s24] =	ssyncset.done $0x0  }
0x113: {  	[sflag:s24] =	ssyncadd.s32 $0xFFFFD800  }
0x114: {  	[tilespmem:$0x0] =	vst v19  }
0x115: {  	[tilespmem:$0x10] =	vst v21  }
0x116: {  	[tilespmem:$0x20] =	vst v22  }
0x117: {  	[tilespmem:$0x30] =	vst v23  }
0x118: {  	[tilespmem:$0x40] =	vst v24  }
0x119: {  	[tilespmem:s23], [sflag:$0x1] =	stream.indirect.gather [spmem:s2], $0x80, s3, s22, $0xb8;
	[tilespmem:$0x1B280] =	vst v63  }
0x11a: {  	_ =	swait.ge [sflag:s4], $0x2800  }
0x11b: {  	[sflag:s4] =	ssyncset.done $0x0  }
0x11c: {  	s9 =	rddreg [dreg:$0x9];
	[sflag:s4] =	ssyncadd.s32 $0xFFFFD800  }
0x11d: {  	[hbm4b:s9+s3] =	stream.linear.scatter [tilespmem:s10], [sflag:$0x5], $0x2800, $0x38;
	[tilespmem:$0x1B280] =	vst v63  }
0x11e: {  	_ =	swait.ge [sflag:s24], $0x2800  }
0x11f: {  	[sflag:s24] =	ssyncset.done $0x0  }
0x120: {  	[sflag:s24] =	ssyncadd.s32 $0xFFFFD800  }
0x121: {  	[tilespmem:$0x100] =	vst v25  }
0x122: {  	[tilespmem:$0x110] =	vst v26  }
0x123: {  	[tilespmem:$0x120] =	vst v27  }
0x124: {  	[tilespmem:$0x130] =	vst v28  }
0x125: {  	[tilespmem:$0x140] =	vst v29  }
0x126: {  	[tilespmem:s10], [sflag:$0x2] =	stream.indirect.gather [spmem:s2], $0x80, s30, s22, $0xb8;
	[tilespmem:$0x1B280] =	vst v63  }
0x127: {  	_ =	swait.ge [sflag:s0], $0x2800  }
0x128: {  	[sflag:s0] =	ssyncset.done $0x0  }
0x129: {  	s19 =	rddreg [dreg:$0xa];
	[sflag:s0] =	ssyncadd.s32 $0xFFFFD800  }
0x12a: {  	[hbm4b:s19+s3] =	stream.linear.scatter [tilespmem:s23], [sflag:$0x5], $0x2800, $0x38;
	[tilespmem:$0x1B280] =	vst v63  }
0x12b: {  	_ =	swait.ge [sflag:s24], $0x2800  }
0x12c: {  	[sflag:s24] =	ssyncset.done $0x0  }
0x12d: {  	[sflag:s24] =	ssyncadd.s32 $0xFFFFD800  }
0x12e: {  	[tilespmem:$0x0] =	vst v30  }
0x12f: {  	[tilespmem:$0x10] =	vst v31  }
0x130: {  	[tilespmem:$0x20] =	vst v32  }
0x131: {  	[tilespmem:$0x30] =	vst v33  }
0x132: {  	[tilespmem:$0x40] =	vst v34  }
0x133: {  	[tilespmem:s23], [sflag:$0x1] =	stream.indirect.gather [spmem:s2], $0x80, s3, s22, $0xb8;
	[tilespmem:$0x1B280] =	vst v63  }
0x134: {  	_ =	swait.ge [sflag:s4], $0x2800  }
0x135: {  	[sflag:s4] =	ssyncset.done $0x0  }
0x136: {  	[sflag:s4] =	ssyncadd.s32 $0xFFFFD800  }
0x137: {  	[hbm4b:s11+s3] =	stream.linear.scatter [tilespmem:s10], [sflag:$0x5], $0x2800, $0x38;
	[tilespmem:$0x1B280] =	vst v63  }
0x138: {  	_ =	swait.ge [sflag:s24], $0x2800  }
0x139: {  	[sflag:s24] =	ssyncset.done $0x0  }
0x13a: {  	[sflag:s24] =	ssyncadd.s32 $0xFFFFD800  }
0x13b: {  	[tilespmem:$0x100] =	vst v35  }
0x13c: {  	[tilespmem:$0x110] =	vst v36  }
0x13d: {  	[tilespmem:$0x120] =	vst v37  }
0x13e: {  	[tilespmem:$0x130] =	vst v38  }
0x13f: {  	[tilespmem:$0x140] =	vst v39  }
0x140: {  	[tilespmem:s10], [sflag:$0x2] =	stream.indirect.gather [spmem:s2], $0x80, s30, s22, $0xb8;
	[tilespmem:$0x1B280] =	vst v63  }
0x141: {  	_ =	swait.ge [sflag:s0], $0x2800  }
0x142: {  	[sflag:s0] =	ssyncset.done $0x0  }
0x143: {  	[sflag:s0] =	ssyncadd.s32 $0xFFFFD800  }
0x144: {  	[hbm4b:s12+s3] =	stream.linear.scatter [tilespmem:s23], [sflag:$0x5], $0x2800, $0x38;
	[tilespmem:$0x1B280] =	vst v63  }
0x145: {  	_ =	swait.ge [sflag:s24], $0x2800  }
0x146: {  	[sflag:s24] =	ssyncset.done $0x0  }
0x147: {  	[sflag:s24] =	ssyncadd.s32 $0xFFFFD800  }
0x148: {  	s5 =	sadd.s32 $0x1, s5;
	_ =	swait.ge [sflag:s4], $0x2800  }
0x149: {  	p0 =	sne.s32 s5, s18;
	[sflag:s4] =	ssyncset.done $0x0  }
.Ltmp3:
0x14a: {  	[sflag:s4] =	ssyncadd.s32 $0xFFFFD800;
	(pc) =	sbr.rel @p0 .LBB2_1-.Ltmp3, $4  }
0x14b: {  	[hbm4b:s13+s3] =	stream.linear.scatter [tilespmem:s10], [sflag:$0x5], $0x2800, $0x38;
	[tilespmem:$0x1B280] =	vst v63  }
0x14c: {  	_ =	swait.ge [sflag:s24], $0x2800  }
0x14d: {  	[sflag:s24] =	ssyncset.done $0x0  }
0x14e: {  	[sflag:s24] =	ssyncadd.s32 $0xFFFFD800  }
0x14f: {  	_ =	sfence.sel $0x180000  }
0x150: {  	[bflag:$0x0] =	sbarrier.arrive $0xFFFF  }
0x151: {  	_ =	strace $0x90000047  }
0x152: {  	s0 =	stileid.u32;
	[bflag:$0x2] =	sbarrier.arrive $0xFFFF  }
0x153: {  	p0 =	sne.s32 s0, $0x0;
	s0 =	rddreg [dreg:$0x4]  }
0x154: {  	s0 =	sadd.s32 @!p0 $0x100000, s0  }
0x155: {  	[sflag:s0] =	ssyncadd.tile.s32 @!p0 $0x1;
	_ =	shalt  }
.Lfunc_end2:
_tile_overlayer_lowered:
.L_overlay_start_2:
0x156: {  	(tag) =	ssettag $0x2  }
0x157: {  	s0 =	rddreg [dreg:$0x0];
	s2 =	stileid.u32  }
0x158: {  	s1 =	rddreg [dreg:$0x1];
	p0 =	sne.s32 s2, $0x0  }
0x159: {  	s3 =	rddreg [dreg:$0x2];
	[bflag:$0x3] =	sbarrier.arrive $0xFFFF;
	s2 =	simm.s32 @!p0 $0x1C05  }
0x15a: {  	[timem:s3], [sflag:s2] =	dma.local @!p0 [hbm:s0], s1  }
0x15b: {  	s0 =	simm.s32 @!p0 $0x5  }
0x15c: {  	_ =	swait.ge @!p0 [sflag:s0], s1  }
0x15d: {  	s1 =	ssub.s32 @!p0 $0x0, s1;
	[sflag:s0] =	ssyncset.done @!p0 $0x0  }
0x15e: {  	[sflag:s0] =	ssyncadd.s32 @!p0 s1  }
0x15f: {  	[bflag:$0x3] =	sbarrier.arrive $0xFFFF  }
0x160: {  	_ =	shalt  }

</sc_bundles>
